<compile_context>
chip_gen: v7x
topology: tpu7x:2x2x1
jax: 0.10.2.dev20260603
libtpu: 0.0.44.dev20260713+nightly
codegen_flags: <defaults>
</compile_context>

<pallas_src>
import functools

import jax
import jax.numpy as jnp
import numpy as np
from jax import lax
from jax.experimental import pallas as pl
from jax.experimental.pallas import tpu as pltpu
from jax.experimental.pallas import tpu_sc as plsc

NUM_EMB = 100000
POS_MAX_LEN = 200
DIM = 128
SCALE = float(np.sqrt(float(DIM)))

NC = 2
NS = 16
NW = NC * NS

B_TOTAL = 1024 * 200
ROWS_PER_W = B_TOTAL // NW
CHUNK = 80
N_CHUNKS = ROWS_PER_W // CHUNK
NBUF = 5
N_OUTER = N_CHUNKS // NBUF
POS_STAGE = 240
PHASES = [(k * CHUNK) % POS_MAX_LEN for k in range(NBUF)]


def _pos_encoding():
    dim_loc = jnp.arange(0, DIM, 2, dtype=jnp.float32)
    pos_loc = jnp.arange(0, POS_MAX_LEN, 1, dtype=jnp.float32)
    denominator = jnp.exp(-(dim_loc / DIM) * jnp.log(jnp.asarray(10000.0)))
    sin_pe = jnp.sin(pos_loc[:, None] * denominator[None, :])
    cos_pe = jnp.cos(pos_loc[:, None] * denominator[None, :])
    pos_enc = jnp.zeros((POS_MAX_LEN, DIM), dtype=jnp.float32)
    pos_enc = pos_enc.at[:, 0::2].set(sin_pe)
    pos_enc = pos_enc.at[:, 1::2].set(cos_pe)
    return pos_enc


@functools.partial(
    pl.kernel,
    mesh=plsc.VectorSubcoreMesh(core_axis_name="c", subcore_axis_name="s"),
    out_type=jax.ShapeDtypeStruct((B_TOTAL, DIM), jnp.float32),
    scratch_types=[
        pltpu.VMEM((N_CHUNKS, CHUNK), jnp.int32),
        pltpu.VMEM((POS_STAGE, DIM), jnp.float32),
        [pltpu.VMEM((CHUNK, DIM), jnp.float32) for _ in range(NBUF)],
        [pltpu.SemaphoreType.DMA for _ in range(NBUF)],
        [pltpu.SemaphoreType.DMA for _ in range(NBUF)],
    ],
)
def _emb_lookup(x_hbm, pos_hbm, table_hbm, out_hbm, idx_v, pos_v, bufs, gsem, osem):
    wid = lax.axis_index("s") * NC + lax.axis_index("c")
    idx_cp = pltpu.make_async_copy(
        x_hbm.at[pl.ds(wid * N_CHUNKS, N_CHUNKS)], idx_v, gsem[0])
    pos_cp = pltpu.make_async_copy(pos_hbm, pos_v, osem[0])
    idx_cp.start()
    pos_cp.start()
    idx_cp.wait()
    out_base = wid * ROWS_PER_W

    def gather(k, c):
        return pltpu.make_async_copy(table_hbm.at[idx_v.at[c]], bufs[k], gsem[k])

    def compute(buf, phase):
        def row_body(r, carry):
            for j in range(DIM // 16):
                sl = pl.ds(j * 16, 16)
                buf[r, sl] = buf[r, sl] * SCALE + pos_v[phase + r, sl]
            return carry

        lax.fori_loop(0, CHUNK, row_body, 0)

    for k in range(NBUF):
        gather(k, k).start()
    pos_cp.wait()

    def outer(i, carry):
        out_cps = []
        for k in range(NBUF):
            c = i * NBUF + k
            gather(k, c).wait()
            compute(bufs[k], PHASES[k])
            out_cps.append(pltpu.async_copy(
                bufs[k], out_hbm.at[pl.ds(out_base + c * CHUNK, CHUNK)], osem[k]))
            if k:
                out_cps[k - 1].wait()

                @pl.when(i < N_OUTER - 1)
                def _refill(k=k, i=i):
                    gather(k - 1, (i + 1) * NBUF + k - 1).start()
        out_cps[NBUF - 1].wait()

        @pl.when(i < N_OUTER - 1)
        def _refill_last(i=i):
            gather(NBUF - 1, (i + 1) * NBUF + NBUF - 1).start()

        return carry

    lax.fori_loop(0, N_OUTER, outer, 0)


def kernel(x, table):
    xf = x.reshape(B_TOTAL // CHUNK, CHUNK).astype(jnp.int32)
    pos = _pos_encoding()
    pos = jnp.concatenate([pos, pos[: POS_STAGE - POS_MAX_LEN]], axis=0)
    out = _emb_lookup(xf, pos, table)
    return out.reshape(1024, POS_MAX_LEN, DIM)

# --- scband reference (transcript-rebuilt; emitter-appended) ---
"""Pipeline reference for scband-embedding-with-position-28870770163967 (READ-ONLY COPY).

The authoritative reference and input builder live on the scoring server;
editing this copy changes nothing except your own understanding.
"""

import jax, jax.numpy as jnp
import numpy as np

NUM_EMB = 100000
POS_MAX_LEN = 200
DIM = 128
PAD = 0


def get_pos_encoding(dim, max_len):
    dim_loc = jnp.arange(0, dim, 2, dtype=jnp.float32)
    pos_loc = jnp.arange(0, max_len, 1, dtype=jnp.float32)
    denominator = jnp.exp(-(dim_loc / dim) * jnp.log(jnp.asarray(10000.0)))
    sin_pe = jnp.sin(pos_loc[:, None] * denominator[None, :])
    cos_pe = jnp.cos(pos_loc[:, None] * denominator[None, :])
    pos_enc = jnp.zeros((max_len, dim), dtype=jnp.float32)
    pos_enc = pos_enc.at[:, 0::2].set(sin_pe)
    pos_enc = pos_enc.at[:, 1::2].set(cos_pe)
    return pos_enc


def setup_inputs(seed: int = 0) -> dict:
    key = jax.random.key(seed)
    k1, k2 = jax.random.split(key)
    x = jax.random.randint(k1, (1024, 200), 0, NUM_EMB, dtype=jnp.int64 if jax.config.read('jax_enable_x64') else jnp.int32)
    table = jax.random.normal(k2, (NUM_EMB, DIM), dtype=jnp.float32)
    # padding_idx row is zeroed, matching nn.Embedding(padding_idx=PAD)
    table = table.at[PAD].set(0.0)
    return {"x": x, "table": table}


def reference(x, table):
    dim = jnp.asarray(DIM, dtype=jnp.float32)
    pos_enc = get_pos_encoding(DIM, POS_MAX_LEN)
    emb = jnp.take(table, x, axis=0) * jnp.sqrt(dim)
    emb = emb + pos_enc  # broadcasts [200,128] over [1024,200,128]
    return emb

if __name__ == "__main__":
    import jax
    _d = setup_inputs()
    print(jax.jit(kernel)(*tuple(_d.values())))

</pallas_src>

<mosaic_0001>
#map = affine_map<(d0, d1) -> (0, 0)>
module attributes {stable_mosaic.version = 14 : i64} {
  func.func @_emb_lookup(%arg0: i32, %arg1: i32, %arg2: memref<2560x80xi32, #tpu.memory_space<hbm>>, %arg3: memref<240x128xf32, #tpu.memory_space<hbm>>, %arg4: memref<100000x128xf32, #tpu.memory_space<hbm>>, %arg5: memref<204800x128xf32, #tpu.memory_space<hbm>>, %arg6: memref<80x80xi32, #tpu.memory_space<vmem>>, %arg7: memref<240x128xf32, #tpu.memory_space<vmem>>, %arg8: memref<80x128xf32, #tpu.memory_space<vmem>>, %arg9: memref<80x128xf32, #tpu.memory_space<vmem>>, %arg10: memref<80x128xf32, #tpu.memory_space<vmem>>, %arg11: memref<80x128xf32, #tpu.memory_space<vmem>>, %arg12: memref<80x128xf32, #tpu.memory_space<vmem>>, %arg13: memref<!tpu.dma_semaphore, #tpu.memory_space<semaphore_mem>>, %arg14: memref<!tpu.dma_semaphore, #tpu.memory_space<semaphore_mem>>, %arg15: memref<!tpu.dma_semaphore, #tpu.memory_space<semaphore_mem>>, %arg16: memref<!tpu.dma_semaphore, #tpu.memory_space<semaphore_mem>>, %arg17: memref<!tpu.dma_semaphore, #tpu.memory_space<semaphore_mem>>, %arg18: memref<!tpu.dma_semaphore, #tpu.memory_space<semaphore_mem>>, %arg19: memref<!tpu.dma_semaphore, #tpu.memory_space<semaphore_mem>>, %arg20: memref<!tpu.dma_semaphore, #tpu.memory_space<semaphore_mem>>, %arg21: memref<!tpu.dma_semaphore, #tpu.memory_space<semaphore_mem>>, %arg22: memref<!tpu.dma_semaphore, #tpu.memory_space<semaphore_mem>>) attributes {dimension_semantics = [#tpu.dimension_semantics<core_parallel>, #tpu.dimension_semantics<subcore_parallel>], iteration_bounds = array<i64: 2, 16>, scalar_prefetch = 0 : i64, scratch_operands = 17 : i64, tpu.core_type = #tpu.core_type<sc_vector_subcore>, window_params = [{transform_indices = #map}, {transform_indices = #map}, {transform_indices = #map}, {transform_indices = #map}]} {
    %mul3A = arith.constant 2 : i32
    %mul3A_0 = arith.muli %arg1, %mul3A : i32
    %add3A = arith.addi %mul3A_0, %arg0 : i32
    %mul3A_1 = arith.constant 80 : i32
    %mul3A_2 = arith.muli %add3A, %mul3A_1 : i32
    %dma_start3A = arith.constant 0 : i32
    %dma_start3A_3 = tpu.memref_slice %arg2[%mul3A_2, %dma_start3A] : memref<2560x80xi32, #tpu.memory_space<hbm>> -> memref<80x80xi32, #tpu.memory_space<hbm>>
    %dma_start3A_4 = arith.constant 0 : i32
    %dma_start3A_5 = tpu.memref_slice %arg2[%mul3A_2, %dma_start3A_4] : memref<2560x80xi32, #tpu.memory_space<hbm>> -> memref<80x80xi32, #tpu.memory_space<hbm>>
    tpu.enqueue_dma source(%dma_start3A_5 : memref<80x80xi32, #tpu.memory_space<hbm>>) target(%arg6 : memref<80x80xi32, #tpu.memory_space<vmem>>) target_semaphore(%arg13 : memref<!tpu.dma_semaphore, #tpu.memory_space<semaphore_mem>>)
    tpu.enqueue_dma source(%arg3 : memref<240x128xf32, #tpu.memory_space<hbm>>) target(%arg7 : memref<240x128xf32, #tpu.memory_space<vmem>>) target_semaphore(%arg18 : memref<!tpu.dma_semaphore, #tpu.memory_space<semaphore_mem>>)
    %dma_wait3A = arith.constant 0 : i32
    %dma_wait3A_6 = tpu.memref_slice %arg2[%mul3A_2, %dma_wait3A] : memref<2560x80xi32, #tpu.memory_space<hbm>> -> memref<80x80xi32, #tpu.memory_space<hbm>>
    %dma_wait3A_7 = arith.constant 0 : i32
    %dma_wait3A_8 = tpu.memref_slice %arg2[%mul3A_2, %dma_wait3A_7] : memref<2560x80xi32, #tpu.memory_space<hbm>> -> memref<80x80xi32, #tpu.memory_space<hbm>>
    tpu.wait_dma2 semaphore(%arg13 : memref<!tpu.dma_semaphore, #tpu.memory_space<semaphore_mem>>) src(%dma_wait3A_8 : memref<80x80xi32, #tpu.memory_space<hbm>>) dst(%arg6 : memref<80x80xi32, #tpu.memory_space<vmem>>)
    %mul3A_9 = arith.constant 6400 : i32
    %mul3A_10 = arith.muli %add3A, %mul3A_9 : i32
    %dma_start3A_11 = arith.constant 0 : i32
    %dma_start3A_12 = arith.constant 0 : i32
    %dma_start3A_13 = tpu.memref_slice %arg6[%dma_start3A_11, %dma_start3A_12] : memref<80x80xi32, #tpu.memory_space<vmem>> -> memref<1x80xi32, #tpu.memory_space<vmem>>
    %dma_start3A_14 = tpu.memref_squeeze %dma_start3A_13 : memref<1x80xi32, #tpu.memory_space<vmem>> -> memref<80xi32, #tpu.memory_space<vmem>>
    %dma_start3A_15 = arith.constant 0 : i32
    %dma_start3A_16 = arith.constant 0 : i32
    %dma_start3A_17 = tpu.memref_slice %arg4[%dma_start3A_15, %dma_start3A_16] : memref<100000x128xf32, #tpu.memory_space<hbm>> -> memref<100000x128xf32, #tpu.memory_space<hbm>>
    tpu.enqueue_indirect_dma source(%dma_start3A_17 : memref<100000x128xf32, #tpu.memory_space<hbm>>) target(%arg8 : memref<80x128xf32, #tpu.memory_space<vmem>>) offsets(%dma_start3A_14 : memref<80xi32, #tpu.memory_space<vmem>>) semaphore(%arg13 : memref<!tpu.dma_semaphore, #tpu.memory_space<semaphore_mem>>)
    %dma_start3A_18 = arith.constant 1 : i32
    %dma_start3A_19 = arith.constant 0 : i32
    %dma_start3A_20 = tpu.memref_slice %arg6[%dma_start3A_18, %dma_start3A_19] : memref<80x80xi32, #tpu.memory_space<vmem>> -> memref<1x80xi32, #tpu.memory_space<vmem>>
    %dma_start3A_21 = tpu.memref_squeeze %dma_start3A_20 : memref<1x80xi32, #tpu.memory_space<vmem>> -> memref<80xi32, #tpu.memory_space<vmem>>
    %dma_start3A_22 = arith.constant 0 : i32
    %dma_start3A_23 = arith.constant 0 : i32
    %dma_start3A_24 = tpu.memref_slice %arg4[%dma_start3A_22, %dma_start3A_23] : memref<100000x128xf32, #tpu.memory_space<hbm>> -> memref<100000x128xf32, #tpu.memory_space<hbm>>
    tpu.enqueue_indirect_dma source(%dma_start3A_24 : memref<100000x128xf32, #tpu.memory_space<hbm>>) target(%arg9 : memref<80x128xf32, #tpu.memory_space<vmem>>) offsets(%dma_start3A_21 : memref<80xi32, #tpu.memory_space<vmem>>) semaphore(%arg14 : memref<!tpu.dma_semaphore, #tpu.memory_space<semaphore_mem>>)
    %dma_start3A_25 = arith.constant 2 : i32
    %dma_start3A_26 = arith.constant 0 : i32
    %dma_start3A_27 = tpu.memref_slice %arg6[%dma_start3A_25, %dma_start3A_26] : memref<80x80xi32, #tpu.memory_space<vmem>> -> memref<1x80xi32, #tpu.memory_space<vmem>>
    %dma_start3A_28 = tpu.memref_squeeze %dma_start3A_27 : memref<1x80xi32, #tpu.memory_space<vmem>> -> memref<80xi32, #tpu.memory_space<vmem>>
    %dma_start3A_29 = arith.constant 0 : i32
    %dma_start3A_30 = arith.constant 0 : i32
    %dma_start3A_31 = tpu.memref_slice %arg4[%dma_start3A_29, %dma_start3A_30] : memref<100000x128xf32, #tpu.memory_space<hbm>> -> memref<100000x128xf32, #tpu.memory_space<hbm>>
    tpu.enqueue_indirect_dma source(%dma_start3A_31 : memref<100000x128xf32, #tpu.memory_space<hbm>>) target(%arg10 : memref<80x128xf32, #tpu.memory_space<vmem>>) offsets(%dma_start3A_28 : memref<80xi32, #tpu.memory_space<vmem>>) semaphore(%arg15 : memref<!tpu.dma_semaphore, #tpu.memory_space<semaphore_mem>>)
    %dma_start3A_32 = arith.constant 3 : i32
    %dma_start3A_33 = arith.constant 0 : i32
    %dma_start3A_34 = tpu.memref_slice %arg6[%dma_start3A_32, %dma_start3A_33] : memref<80x80xi32, #tpu.memory_space<vmem>> -> memref<1x80xi32, #tpu.memory_space<vmem>>
    %dma_start3A_35 = tpu.memref_squeeze %dma_start3A_34 : memref<1x80xi32, #tpu.memory_space<vmem>> -> memref<80xi32, #tpu.memory_space<vmem>>
    %dma_start3A_36 = arith.constant 0 : i32
    %dma_start3A_37 = arith.constant 0 : i32
    %dma_start3A_38 = tpu.memref_slice %arg4[%dma_start3A_36, %dma_start3A_37] : memref<100000x128xf32, #tpu.memory_space<hbm>> -> memref<100000x128xf32, #tpu.memory_space<hbm>>
    tpu.enqueue_indirect_dma source(%dma_start3A_38 : memref<100000x128xf32, #tpu.memory_space<hbm>>) target(%arg11 : memref<80x128xf32, #tpu.memory_space<vmem>>) offsets(%dma_start3A_35 : memref<80xi32, #tpu.memory_space<vmem>>) semaphore(%arg16 : memref<!tpu.dma_semaphore, #tpu.memory_space<semaphore_mem>>)
    %dma_start3A_39 = arith.constant 4 : i32
    %dma_start3A_40 = arith.constant 0 : i32
    %dma_start3A_41 = tpu.memref_slice %arg6[%dma_start3A_39, %dma_start3A_40] : memref<80x80xi32, #tpu.memory_space<vmem>> -> memref<1x80xi32, #tpu.memory_space<vmem>>
    %dma_start3A_42 = tpu.memref_squeeze %dma_start3A_41 : memref<1x80xi32, #tpu.memory_space<vmem>> -> memref<80xi32, #tpu.memory_space<vmem>>
    %dma_start3A_43 = arith.constant 0 : i32
    %dma_start3A_44 = arith.constant 0 : i32
    %dma_start3A_45 = tpu.memref_slice %arg4[%dma_start3A_43, %dma_start3A_44] : memref<100000x128xf32, #tpu.memory_space<hbm>> -> memref<100000x128xf32, #tpu.memory_space<hbm>>
    tpu.enqueue_indirect_dma source(%dma_start3A_45 : memref<100000x128xf32, #tpu.memory_space<hbm>>) target(%arg12 : memref<80x128xf32, #tpu.memory_space<vmem>>) offsets(%dma_start3A_42 : memref<80xi32, #tpu.memory_space<vmem>>) semaphore(%arg17 : memref<!tpu.dma_semaphore, #tpu.memory_space<semaphore_mem>>)
    tpu.wait_dma2 semaphore(%arg18 : memref<!tpu.dma_semaphore, #tpu.memory_space<semaphore_mem>>) src(%arg3 : memref<240x128xf32, #tpu.memory_space<hbm>>) dst(%arg7 : memref<240x128xf32, #tpu.memory_space<vmem>>)
    %scan3A = arith.constant 0 : i32
    %scan3A_46 = arith.constant 0 : i32
    %scan3A_47 = arith.constant 16 : i32
    %scan3A_48 = arith.addi %scan3A_46, %scan3A_47 : i32
    %scan3A_49 = arith.constant 1 : i32
    scf.for %scan3A_51 = %scan3A_46 to %scan3A_48 step %scan3A_49  : i32 {
      %mul3A_52 = arith.constant 5 : i32
      %mul3A_53 = arith.muli %scan3A_51, %mul3A_52 : i32
      %add3A_54 = arith.constant 0 : i32
      %add3A_55 = arith.addi %mul3A_53, %add3A_54 : i32
      %dma_wait3A_56 = arith.constant 0 : i32
      %dma_wait3A_57 = tpu.memref_slice %arg6[%add3A_55, %dma_wait3A_56] : memref<80x80xi32, #tpu.memory_space<vmem>> -> memref<1x80xi32, #tpu.memory_space<vmem>>
      %dma_wait3A_58 = tpu.memref_squeeze %dma_wait3A_57 : memref<1x80xi32, #tpu.memory_space<vmem>> -> memref<80xi32, #tpu.memory_space<vmem>>
      %dma_wait3A_59 = arith.constant 0 : i32
      %dma_wait3A_60 = arith.constant 0 : i32
      %dma_wait3A_61 = tpu.memref_slice %arg4[%dma_wait3A_59, %dma_wait3A_60] : memref<100000x128xf32, #tpu.memory_space<hbm>> -> memref<100000x128xf32, #tpu.memory_space<hbm>>
      tpu.wait_indirect_dma semaphore(%arg13 : memref<!tpu.dma_semaphore, #tpu.memory_space<semaphore_mem>>) src(%dma_wait3A_61 : memref<100000x128xf32, #tpu.memory_space<hbm>>) dst(%arg8 : memref<80x128xf32, #tpu.memory_space<vmem>>)
      %scan3A_62 = arith.constant 0 : i32
      %scan3A_63 = arith.constant 0 : i32
      %scan3A_64 = arith.constant 80 : i32
      %scan3A_65 = arith.addi %scan3A_63, %scan3A_64 : i32
      %scan3A_66 = arith.constant 1 : i32
      scf.for %scan3A_209 = %scan3A_63 to %scan3A_65 step %scan3A_66  : i32 {
        %get3A = arith.index_cast %scan3A_209 : i32 to index
        %get3A_210 = arith.constant 0 : index
        %get3A_211 = tpu.vector_load %arg8[%get3A, %get3A_210] {strides = array<i32>} : memref<80x128xf32, #tpu.memory_space<vmem>>, vector<1x16xf32>,
        %get3A_212 = vector.shape_cast %get3A_211 : vector<1x16xf32> to vector<16xf32>
        %mul3A_213 = arith.constant 11.3137083 : f32
        %mul3A_214 = vector.broadcast %mul3A_213 : f32 to vector<16xf32>
        %mul3A_215 = arith.mulf %get3A_212, %mul3A_214 : vector<16xf32>
        %add3A_216 = arith.constant 0 : i32
        %add3A_217 = arith.addi %add3A_216, %scan3A_209 : i32
        %get3A_218 = arith.index_cast %add3A_217 : i32 to index
        %get3A_219 = arith.constant 0 : index
        %get3A_220 = tpu.vector_load %arg7[%get3A_218, %get3A_219] {strides = array<i32>} : memref<240x128xf32, #tpu.memory_space<vmem>>, vector<1x16xf32>,
        %get3A_221 = vector.shape_cast %get3A_220 : vector<1x16xf32> to vector<16xf32>
        %add3A_222 = arith.addf %mul3A_215, %get3A_221 : vector<16xf32>
        %swap3A = arith.index_cast %scan3A_209 : i32 to index
        %swap3A_223 = arith.constant 0 : index
        %swap3A_224 = tpu.vector_load %arg8[%swap3A, %swap3A_223] {strides = array<i32>} : memref<80x128xf32, #tpu.memory_space<vmem>>, vector<1x16xf32>,
        %swap3A_225 = vector.shape_cast %swap3A_224 : vector<1x16xf32> to vector<16xf32>
        %swap3A_226 = vector.shape_cast %add3A_222 : vector<16xf32> to vector<1x16xf32>
        tpu.vector_store %arg8[%swap3A, %swap3A_223], %swap3A_226 {strides = array<i32>} : memref<80x128xf32, #tpu.memory_space<vmem>>, vector<1x16xf32>,
        %get3A_227 = arith.index_cast %scan3A_209 : i32 to index
        %get3A_228 = arith.constant 16 : index
        %get3A_229 = tpu.vector_load %arg8[%get3A_227, %get3A_228] {strides = array<i32>} : memref<80x128xf32, #tpu.memory_space<vmem>>, vector<1x16xf32>,
        %get3A_230 = vector.shape_cast %get3A_229 : vector<1x16xf32> to vector<16xf32>
        %mul3A_231 = arith.constant 11.3137083 : f32
        %mul3A_232 = vector.broadcast %mul3A_231 : f32 to vector<16xf32>
        %mul3A_233 = arith.mulf %get3A_230, %mul3A_232 : vector<16xf32>
        %add3A_234 = arith.constant 0 : i32
        %add3A_235 = arith.addi %add3A_234, %scan3A_209 : i32
        %get3A_236 = arith.index_cast %add3A_235 : i32 to index
        %get3A_237 = arith.constant 16 : index
        %get3A_238 = tpu.vector_load %arg7[%get3A_236, %get3A_237] {strides = array<i32>} : memref<240x128xf32, #tpu.memory_space<vmem>>, vector<1x16xf32>,
        %get3A_239 = vector.shape_cast %get3A_238 : vector<1x16xf32> to vector<16xf32>
        %add3A_240 = arith.addf %mul3A_233, %get3A_239 : vector<16xf32>
        %swap3A_241 = arith.index_cast %scan3A_209 : i32 to index
        %swap3A_242 = arith.constant 16 : index
        %swap3A_243 = tpu.vector_load %arg8[%swap3A_241, %swap3A_242] {strides = array<i32>} : memref<80x128xf32, #tpu.memory_space<vmem>>, vector<1x16xf32>,
        %swap3A_244 = vector.shape_cast %swap3A_243 : vector<1x16xf32> to vector<16xf32>
        %swap3A_245 = vector.shape_cast %add3A_240 : vector<16xf32> to vector<1x16xf32>
        tpu.vector_store %arg8[%swap3A_241, %swap3A_242], %swap3A_245 {strides = array<i32>} : memref<80x128xf32, #tpu.memory_space<vmem>>, vector<1x16xf32>,
        %get3A_246 = arith.index_cast %scan3A_209 : i32 to index
        %get3A_247 = arith.constant 32 : index
        %get3A_248 = tpu.vector_load %arg8[%get3A_246, %get3A_247] {strides = array<i32>} : memref<80x128xf32, #tpu.memory_space<vmem>>, vector<1x16xf32>,
        %get3A_249 = vector.shape_cast %get3A_248 : vector<1x16xf32> to vector<16xf32>
        %mul3A_250 = arith.constant 11.3137083 : f32
        %mul3A_251 = vector.broadcast %mul3A_250 : f32 to vector<16xf32>
        %mul3A_252 = arith.mulf %get3A_249, %mul3A_251 : vector<16xf32>
        %add3A_253 = arith.constant 0 : i32
        %add3A_254 = arith.addi %add3A_253, %scan3A_209 : i32
        %get3A_255 = arith.index_cast %add3A_254 : i32 to index
        %get3A_256 = arith.constant 32 : index
        %get3A_257 = tpu.vector_load %arg7[%get3A_255, %get3A_256] {strides = array<i32>} : memref<240x128xf32, #tpu.memory_space<vmem>>, vector<1x16xf32>,
        %get3A_258 = vector.shape_cast %get3A_257 : vector<1x16xf32> to vector<16xf32>
        %add3A_259 = arith.addf %mul3A_252, %get3A_258 : vector<16xf32>
        %swap3A_260 = arith.index_cast %scan3A_209 : i32 to index
        %swap3A_261 = arith.constant 32 : index
        %swap3A_262 = tpu.vector_load %arg8[%swap3A_260, %swap3A_261] {strides = array<i32>} : memref<80x128xf32, #tpu.memory_space<vmem>>, vector<1x16xf32>,
        %swap3A_263 = vector.shape_cast %swap3A_262 : vector<1x16xf32> to vector<16xf32>
        %swap3A_264 = vector.shape_cast %add3A_259 : vector<16xf32> to vector<1x16xf32>
        tpu.vector_store %arg8[%swap3A_260, %swap3A_261], %swap3A_264 {strides = array<i32>} : memref<80x128xf32, #tpu.memory_space<vmem>>, vector<1x16xf32>,
        %get3A_265 = arith.index_cast %scan3A_209 : i32 to index
        %get3A_266 = arith.constant 48 : index
        %get3A_267 = tpu.vector_load %arg8[%get3A_265, %get3A_266] {strides = array<i32>} : memref<80x128xf32, #tpu.memory_space<vmem>>, vector<1x16xf32>,
        %get3A_268 = vector.shape_cast %get3A_267 : vector<1x16xf32> to vector<16xf32>
        %mul3A_269 = arith.constant 11.3137083 : f32
        %mul3A_270 = vector.broadcast %mul3A_269 : f32 to vector<16xf32>
        %mul3A_271 = arith.mulf %get3A_268, %mul3A_270 : vector<16xf32>
        %add3A_272 = arith.constant 0 : i32
        %add3A_273 = arith.addi %add3A_272, %scan3A_209 : i32
        %get3A_274 = arith.index_cast %add3A_273 : i32 to index
        %get3A_275 = arith.constant 48 : index
        %get3A_276 = tpu.vector_load %arg7[%get3A_274, %get3A_275] {strides = array<i32>} : memref<240x128xf32, #tpu.memory_space<vmem>>, vector<1x16xf32>,
        %get3A_277 = vector.shape_cast %get3A_276 : vector<1x16xf32> to vector<16xf32>
        %add3A_278 = arith.addf %mul3A_271, %get3A_277 : vector<16xf32>
        %swap3A_279 = arith.index_cast %scan3A_209 : i32 to index
        %swap3A_280 = arith.constant 48 : index
        %swap3A_281 = tpu.vector_load %arg8[%swap3A_279, %swap3A_280] {strides = array<i32>} : memref<80x128xf32, #tpu.memory_space<vmem>>, vector<1x16xf32>,
        %swap3A_282 = vector.shape_cast %swap3A_281 : vector<1x16xf32> to vector<16xf32>
        %swap3A_283 = vector.shape_cast %add3A_278 : vector<16xf32> to vector<1x16xf32>
        tpu.vector_store %arg8[%swap3A_279, %swap3A_280], %swap3A_283 {strides = array<i32>} : memref<80x128xf32, #tpu.memory_space<vmem>>, vector<1x16xf32>,
        %get3A_284 = arith.index_cast %scan3A_209 : i32 to index
        %get3A_285 = arith.constant 64 : index
        %get3A_286 = tpu.vector_load %arg8[%get3A_284, %get3A_285] {strides = array<i32>} : memref<80x128xf32, #tpu.memory_space<vmem>>, vector<1x16xf32>,
        %get3A_287 = vector.shape_cast %get3A_286 : vector<1x16xf32> to vector<16xf32>
        %mul3A_288 = arith.constant 11.3137083 : f32
        %mul3A_289 = vector.broadcast %mul3A_288 : f32 to vector<16xf32>
        %mul3A_290 = arith.mulf %get3A_287, %mul3A_289 : vector<16xf32>
        %add3A_291 = arith.constant 0 : i32
        %add3A_292 = arith.addi %add3A_291, %scan3A_209 : i32
        %get3A_293 = arith.index_cast %add3A_292 : i32 to index
        %get3A_294 = arith.constant 64 : index
        %get3A_295 = tpu.vector_load %arg7[%get3A_293, %get3A_294] {strides = array<i32>} : memref<240x128xf32, #tpu.memory_space<vmem>>, vector<1x16xf32>,
        %get3A_296 = vector.shape_cast %get3A_295 : vector<1x16xf32> to vector<16xf32>
        %add3A_297 = arith.addf %mul3A_290, %get3A_296 : vector<16xf32>
        %swap3A_298 = arith.index_cast %scan3A_209 : i32 to index
        %swap3A_299 = arith.constant 64 : index
        %swap3A_300 = tpu.vector_load %arg8[%swap3A_298, %swap3A_299] {strides = array<i32>} : memref<80x128xf32, #tpu.memory_space<vmem>>, vector<1x16xf32>,
        %swap3A_301 = vector.shape_cast %swap3A_300 : vector<1x16xf32> to vector<16xf32>
        %swap3A_302 = vector.shape_cast %add3A_297 : vector<16xf32> to vector<1x16xf32>
        tpu.vector_store %arg8[%swap3A_298, %swap3A_299], %swap3A_302 {strides = array<i32>} : memref<80x128xf32, #tpu.memory_space<vmem>>, vector<1x16xf32>,
        %get3A_303 = arith.index_cast %scan3A_209 : i32 to index
        %get3A_304 = arith.constant 80 : index
        %get3A_305 = tpu.vector_load %arg8[%get3A_303, %get3A_304] {strides = array<i32>} : memref<80x128xf32, #tpu.memory_space<vmem>>, vector<1x16xf32>,
        %get3A_306 = vector.shape_cast %get3A_305 : vector<1x16xf32> to vector<16xf32>
        %mul3A_307 = arith.constant 11.3137083 : f32
        %mul3A_308 = vector.broadcast %mul3A_307 : f32 to vector<16xf32>
        %mul3A_309 = arith.mulf %get3A_306, %mul3A_308 : vector<16xf32>
        %add3A_310 = arith.constant 0 : i32
        %add3A_311 = arith.addi %add3A_310, %scan3A_209 : i32
        %get3A_312 = arith.index_cast %add3A_311 : i32 to index
        %get3A_313 = arith.constant 80 : index
        %get3A_314 = tpu.vector_load %arg7[%get3A_312, %get3A_313] {strides = array<i32>} : memref<240x128xf32, #tpu.memory_space<vmem>>, vector<1x16xf32>,
        %get3A_315 = vector.shape_cast %get3A_314 : vector<1x16xf32> to vector<16xf32>
        %add3A_316 = arith.addf %mul3A_309, %get3A_315 : vector<16xf32>
        %swap3A_317 = arith.index_cast %scan3A_209 : i32 to index
        %swap3A_318 = arith.constant 80 : index
        %swap3A_319 = tpu.vector_load %arg8[%swap3A_317, %swap3A_318] {strides = array<i32>} : memref<80x128xf32, #tpu.memory_space<vmem>>, vector<1x16xf32>,
        %swap3A_320 = vector.shape_cast %swap3A_319 : vector<1x16xf32> to vector<16xf32>
        %swap3A_321 = vector.shape_cast %add3A_316 : vector<16xf32> to vector<1x16xf32>
        tpu.vector_store %arg8[%swap3A_317, %swap3A_318], %swap3A_321 {strides = array<i32>} : memref<80x128xf32, #tpu.memory_space<vmem>>, vector<1x16xf32>,
        %get3A_322 = arith.index_cast %scan3A_209 : i32 to index
        %get3A_323 = arith.constant 96 : index
        %get3A_324 = tpu.vector_load %arg8[%get3A_322, %get3A_323] {strides = array<i32>} : memref<80x128xf32, #tpu.memory_space<vmem>>, vector<1x16xf32>,
        %get3A_325 = vector.shape_cast %get3A_324 : vector<1x16xf32> to vector<16xf32>
        %mul3A_326 = arith.constant 11.3137083 : f32
        %mul3A_327 = vector.broadcast %mul3A_326 : f32 to vector<16xf32>
        %mul3A_328 = arith.mulf %get3A_325, %mul3A_327 : vector<16xf32>
        %add3A_329 = arith.constant 0 : i32
        %add3A_330 = arith.addi %add3A_329, %scan3A_209 : i32
        %get3A_331 = arith.index_cast %add3A_330 : i32 to index
        %get3A_332 = arith.constant 96 : index
        %get3A_333 = tpu.vector_load %arg7[%get3A_331, %get3A_332] {strides = array<i32>} : memref<240x128xf32, #tpu.memory_space<vmem>>, vector<1x16xf32>,
        %get3A_334 = vector.shape_cast %get3A_333 : vector<1x16xf32> to vector<16xf32>
        %add3A_335 = arith.addf %mul3A_328, %get3A_334 : vector<16xf32>
        %swap3A_336 = arith.index_cast %scan3A_209 : i32 to index
        %swap3A_337 = arith.constant 96 : index
        %swap3A_338 = tpu.vector_load %arg8[%swap3A_336, %swap3A_337] {strides = array<i32>} : memref<80x128xf32, #tpu.memory_space<vmem>>, vector<1x16xf32>,
        %swap3A_339 = vector.shape_cast %swap3A_338 : vector<1x16xf32> to vector<16xf32>
        %swap3A_340 = vector.shape_cast %add3A_335 : vector<16xf32> to vector<1x16xf32>
        tpu.vector_store %arg8[%swap3A_336, %swap3A_337], %swap3A_340 {strides = array<i32>} : memref<80x128xf32, #tpu.memory_space<vmem>>, vector<1x16xf32>,
        %get3A_341 = arith.index_cast %scan3A_209 : i32 to index
        %get3A_342 = arith.constant 112 : index
        %get3A_343 = tpu.vector_load %arg8[%get3A_341, %get3A_342] {strides = array<i32>} : memref<80x128xf32, #tpu.memory_space<vmem>>, vector<1x16xf32>,
        %get3A_344 = vector.shape_cast %get3A_343 : vector<1x16xf32> to vector<16xf32>
        %mul3A_345 = arith.constant 11.3137083 : f32
        %mul3A_346 = vector.broadcast %mul3A_345 : f32 to vector<16xf32>
        %mul3A_347 = arith.mulf %get3A_344, %mul3A_346 : vector<16xf32>
        %add3A_348 = arith.constant 0 : i32
        %add3A_349 = arith.addi %add3A_348, %scan3A_209 : i32
        %get3A_350 = arith.index_cast %add3A_349 : i32 to index
        %get3A_351 = arith.constant 112 : index
        %get3A_352 = tpu.vector_load %arg7[%get3A_350, %get3A_351] {strides = array<i32>} : memref<240x128xf32, #tpu.memory_space<vmem>>, vector<1x16xf32>,
        %get3A_353 = vector.shape_cast %get3A_352 : vector<1x16xf32> to vector<16xf32>
        %add3A_354 = arith.addf %mul3A_347, %get3A_353 : vector<16xf32>
        %swap3A_355 = arith.index_cast %scan3A_209 : i32 to index
        %swap3A_356 = arith.constant 112 : index
        %swap3A_357 = tpu.vector_load %arg8[%swap3A_355, %swap3A_356] {strides = array<i32>} : memref<80x128xf32, #tpu.memory_space<vmem>>, vector<1x16xf32>,
        %swap3A_358 = vector.shape_cast %swap3A_357 : vector<1x16xf32> to vector<16xf32>
        %swap3A_359 = vector.shape_cast %add3A_354 : vector<16xf32> to vector<1x16xf32>
        tpu.vector_store %arg8[%swap3A_355, %swap3A_356], %swap3A_359 {strides = array<i32>} : memref<80x128xf32, #tpu.memory_space<vmem>>, vector<1x16xf32>,
      }
      %scan3A_67 = arith.constant 80 : i32
      %mul3A_68 = arith.constant 80 : i32
      %mul3A_69 = arith.muli %add3A_55, %mul3A_68 : i32
      %add3A_70 = arith.addi %mul3A_10, %mul3A_69 : i32
      %dma_start3A_71 = arith.constant 0 : i32
      %dma_start3A_72 = tpu.memref_slice %arg5[%add3A_70, %dma_start3A_71] : memref<204800x128xf32, #tpu.memory_space<hbm>> -> memref<80x128xf32, #tpu.memory_space<hbm>>
      %dma_start3A_73 = arith.constant 0 : i32
      %dma_start3A_74 = tpu.memref_slice %arg5[%add3A_70, %dma_start3A_73] : memref<204800x128xf32, #tpu.memory_space<hbm>> -> memref<80x128xf32, #tpu.memory_space<hbm>>
      tpu.enqueue_dma source(%arg8 : memref<80x128xf32, #tpu.memory_space<vmem>>) target(%dma_start3A_74 : memref<80x128xf32, #tpu.memory_space<hbm>>) target_semaphore(%arg18 : memref<!tpu.dma_semaphore, #tpu.memory_space<semaphore_mem>>)
      %mul3A_75 = arith.constant 5 : i32
      %mul3A_76 = arith.muli %scan3A_51, %mul3A_75 : i32
      %add3A_77 = arith.constant 1 : i32
      %add3A_78 = arith.addi %mul3A_76, %add3A_77 : i32
      %dma_wait3A_79 = arith.constant 0 : i32
      %dma_wait3A_80 = tpu.memref_slice %arg6[%add3A_78, %dma_wait3A_79] : memref<80x80xi32, #tpu.memory_space<vmem>> -> memref<1x80xi32, #tpu.memory_space<vmem>>
      %dma_wait3A_81 = tpu.memref_squeeze %dma_wait3A_80 : memref<1x80xi32, #tpu.memory_space<vmem>> -> memref<80xi32, #tpu.memory_space<vmem>>
      %dma_wait3A_82 = arith.constant 0 : i32
      %dma_wait3A_83 = arith.constant 0 : i32
      %dma_wait3A_84 = tpu.memref_slice %arg4[%dma_wait3A_82, %dma_wait3A_83] : memref<100000x128xf32, #tpu.memory_space<hbm>> -> memref<100000x128xf32, #tpu.memory_space<hbm>>
      tpu.wait_indirect_dma semaphore(%arg14 : memref<!tpu.dma_semaphore, #tpu.memory_space<semaphore_mem>>) src(%dma_wait3A_84 : memref<100000x128xf32, #tpu.memory_space<hbm>>) dst(%arg9 : memref<80x128xf32, #tpu.memory_space<vmem>>)
      %scan3A_85 = arith.constant 0 : i32
      %scan3A_86 = arith.constant 0 : i32
      %scan3A_87 = arith.constant 80 : i32
      %scan3A_88 = arith.addi %scan3A_86, %scan3A_87 : i32
      %scan3A_89 = arith.constant 1 : i32
      scf.for %scan3A_209 = %scan3A_86 to %scan3A_88 step %scan3A_89  : i32 {
        %get3A = arith.index_cast %scan3A_209 : i32 to index
        %get3A_210 = arith.constant 0 : index
        %get3A_211 = tpu.vector_load %arg9[%get3A, %get3A_210] {strides = array<i32>} : memref<80x128xf32, #tpu.memory_space<vmem>>, vector<1x16xf32>,
        %get3A_212 = vector.shape_cast %get3A_211 : vector<1x16xf32> to vector<16xf32>
        %mul3A_213 = arith.constant 11.3137083 : f32
        %mul3A_214 = vector.broadcast %mul3A_213 : f32 to vector<16xf32>
        %mul3A_215 = arith.mulf %get3A_212, %mul3A_214 : vector<16xf32>
        %add3A_216 = arith.constant 80 : i32
        %add3A_217 = arith.addi %add3A_216, %scan3A_209 : i32
        %get3A_218 = arith.index_cast %add3A_217 : i32 to index
        %get3A_219 = arith.constant 0 : index
        %get3A_220 = tpu.vector_load %arg7[%get3A_218, %get3A_219] {strides = array<i32>} : memref<240x128xf32, #tpu.memory_space<vmem>>, vector<1x16xf32>,
        %get3A_221 = vector.shape_cast %get3A_220 : vector<1x16xf32> to vector<16xf32>
        %add3A_222 = arith.addf %mul3A_215, %get3A_221 : vector<16xf32>
        %swap3A = arith.index_cast %scan3A_209 : i32 to index
        %swap3A_223 = arith.constant 0 : index
        %swap3A_224 = tpu.vector_load %arg9[%swap3A, %swap3A_223] {strides = array<i32>} : memref<80x128xf32, #tpu.memory_space<vmem>>, vector<1x16xf32>,
        %swap3A_225 = vector.shape_cast %swap3A_224 : vector<1x16xf32> to vector<16xf32>
        %swap3A_226 = vector.shape_cast %add3A_222 : vector<16xf32> to vector<1x16xf32>
        tpu.vector_store %arg9[%swap3A, %swap3A_223], %swap3A_226 {strides = array<i32>} : memref<80x128xf32, #tpu.memory_space<vmem>>, vector<1x16xf32>,
        %get3A_227 = arith.index_cast %scan3A_209 : i32 to index
        %get3A_228 = arith.constant 16 : index
        %get3A_229 = tpu.vector_load %arg9[%get3A_227, %get3A_228] {strides = array<i32>} : memref<80x128xf32, #tpu.memory_space<vmem>>, vector<1x16xf32>,
        %get3A_230 = vector.shape_cast %get3A_229 : vector<1x16xf32> to vector<16xf32>
        %mul3A_231 = arith.constant 11.3137083 : f32
        %mul3A_232 = vector.broadcast %mul3A_231 : f32 to vector<16xf32>
        %mul3A_233 = arith.mulf %get3A_230, %mul3A_232 : vector<16xf32>
        %add3A_234 = arith.constant 80 : i32
        %add3A_235 = arith.addi %add3A_234, %scan3A_209 : i32
        %get3A_236 = arith.index_cast %add3A_235 : i32 to index
        %get3A_237 = arith.constant 16 : index
        %get3A_238 = tpu.vector_load %arg7[%get3A_236, %get3A_237] {strides = array<i32>} : memref<240x128xf32, #tpu.memory_space<vmem>>, vector<1x16xf32>,
        %get3A_239 = vector.shape_cast %get3A_238 : vector<1x16xf32> to vector<16xf32>
        %add3A_240 = arith.addf %mul3A_233, %get3A_239 : vector<16xf32>
        %swap3A_241 = arith.index_cast %scan3A_209 : i32 to index
        %swap3A_242 = arith.constant 16 : index
        %swap3A_243 = tpu.vector_load %arg9[%swap3A_241, %swap3A_242] {strides = array<i32>} : memref<80x128xf32, #tpu.memory_space<vmem>>, vector<1x16xf32>,
        %swap3A_244 = vector.shape_cast %swap3A_243 : vector<1x16xf32> to vector<16xf32>
        %swap3A_245 = vector.shape_cast %add3A_240 : vector<16xf32> to vector<1x16xf32>
        tpu.vector_store %arg9[%swap3A_241, %swap3A_242], %swap3A_245 {strides = array<i32>} : memref<80x128xf32, #tpu.memory_space<vmem>>, vector<1x16xf32>,
        %get3A_246 = arith.index_cast %scan3A_209 : i32 to index
        %get3A_247 = arith.constant 32 : index
        %get3A_248 = tpu.vector_load %arg9[%get3A_246, %get3A_247] {strides = array<i32>} : memref<80x128xf32, #tpu.memory_space<vmem>>, vector<1x16xf32>,
        %get3A_249 = vector.shape_cast %get3A_248 : vector<1x16xf32> to vector<16xf32>
        %mul3A_250 = arith.constant 11.3137083 : f32
        %mul3A_251 = vector.broadcast %mul3A_250 : f32 to vector<16xf32>
        %mul3A_252 = arith.mulf %get3A_249, %mul3A_251 : vector<16xf32>
        %add3A_253 = arith.constant 80 : i32
        %add3A_254 = arith.addi %add3A_253, %scan3A_209 : i32
        %get3A_255 = arith.index_cast %add3A_254 : i32 to index
        %get3A_256 = arith.constant 32 : index
        %get3A_257 = tpu.vector_load %arg7[%get3A_255, %get3A_256] {strides = array<i32>} : memref<240x128xf32, #tpu.memory_space<vmem>>, vector<1x16xf32>,
        %get3A_258 = vector.shape_cast %get3A_257 : vector<1x16xf32> to vector<16xf32>
        %add3A_259 = arith.addf %mul3A_252, %get3A_258 : vector<16xf32>
        %swap3A_260 = arith.index_cast %scan3A_209 : i32 to index
        %swap3A_261 = arith.constant 32 : index
        %swap3A_262 = tpu.vector_load %arg9[%swap3A_260, %swap3A_261] {strides = array<i32>} : memref<80x128xf32, #tpu.memory_space<vmem>>, vector<1x16xf32>,
        %swap3A_263 = vector.shape_cast %swap3A_262 : vector<1x16xf32> to vector<16xf32>
        %swap3A_264 = vector.shape_cast %add3A_259 : vector<16xf32> to vector<1x16xf32>
        tpu.vector_store %arg9[%swap3A_260, %swap3A_261], %swap3A_264 {strides = array<i32>} : memref<80x128xf32, #tpu.memory_space<vmem>>, vector<1x16xf32>,
        %get3A_265 = arith.index_cast %scan3A_209 : i32 to index
        %get3A_266 = arith.constant 48 : index
        %get3A_267 = tpu.vector_load %arg9[%get3A_265, %get3A_266] {strides = array<i32>} : memref<80x128xf32, #tpu.memory_space<vmem>>, vector<1x16xf32>,
        %get3A_268 = vector.shape_cast %get3A_267 : vector<1x16xf32> to vector<16xf32>
        %mul3A_269 = arith.constant 11.3137083 : f32
        %mul3A_270 = vector.broadcast %mul3A_269 : f32 to vector<16xf32>
        %mul3A_271 = arith.mulf %get3A_268, %mul3A_270 : vector<16xf32>
        %add3A_272 = arith.constant 80 : i32
        %add3A_273 = arith.addi %add3A_272, %scan3A_209 : i32
        %get3A_274 = arith.index_cast %add3A_273 : i32 to index
        %get3A_275 = arith.constant 48 : index
        %get3A_276 = tpu.vector_load %arg7[%get3A_274, %get3A_275] {strides = array<i32>} : memref<240x128xf32, #tpu.memory_space<vmem>>, vector<1x16xf32>,
        %get3A_277 = vector.shape_cast %get3A_276 : vector<1x16xf32> to vector<16xf32>
        %add3A_278 = arith.addf %mul3A_271, %get3A_277 : vector<16xf32>
        %swap3A_279 = arith.index_cast %scan3A_209 : i32 to index
        %swap3A_280 = arith.constant 48 : index
        %swap3A_281 = tpu.vector_load %arg9[%swap3A_279, %swap3A_280] {strides = array<i32>} : memref<80x128xf32, #tpu.memory_space<vmem>>, vector<1x16xf32>,
        %swap3A_282 = vector.shape_cast %swap3A_281 : vector<1x16xf32> to vector<16xf32>
        %swap3A_283 = vector.shape_cast %add3A_278 : vector<16xf32> to vector<1x16xf32>
        tpu.vector_store %arg9[%swap3A_279, %swap3A_280], %swap3A_283 {strides = array<i32>} : memref<80x128xf32, #tpu.memory_space<vmem>>, vector<1x16xf32>,
        %get3A_284 = arith.index_cast %scan3A_209 : i32 to index
        %get3A_285 = arith.constant 64 : index
        %get3A_286 = tpu.vector_load %arg9[%get3A_284, %get3A_285] {strides = array<i32>} : memref<80x128xf32, #tpu.memory_space<vmem>>, vector<1x16xf32>,
        %get3A_287 = vector.shape_cast %get3A_286 : vector<1x16xf32> to vector<16xf32>
        %mul3A_288 = arith.constant 11.3137083 : f32
        %mul3A_289 = vector.broadcast %mul3A_288 : f32 to vector<16xf32>
        %mul3A_290 = arith.mulf %get3A_287, %mul3A_289 : vector<16xf32>
        %add3A_291 = arith.constant 80 : i32
        %add3A_292 = arith.addi %add3A_291, %scan3A_209 : i32
        %get3A_293 = arith.index_cast %add3A_292 : i32 to index
        %get3A_294 = arith.constant 64 : index
        %get3A_295 = tpu.vector_load %arg7[%get3A_293, %get3A_294] {strides = array<i32>} : memref<240x128xf32, #tpu.memory_space<vmem>>, vector<1x16xf32>,
        %get3A_296 = vector.shape_cast %get3A_295 : vector<1x16xf32> to vector<16xf32>
        %add3A_297 = arith.addf %mul3A_290, %get3A_296 : vector<16xf32>
        %swap3A_298 = arith.index_cast %scan3A_209 : i32 to index
        %swap3A_299 = arith.constant 64 : index
        %swap3A_300 = tpu.vector_load %arg9[%swap3A_298, %swap3A_299] {strides = array<i32>} : memref<80x128xf32, #tpu.memory_space<vmem>>, vector<1x16xf32>,
        %swap3A_301 = vector.shape_cast %swap3A_300 : vector<1x16xf32> to vector<16xf32>
        %swap3A_302 = vector.shape_cast %add3A_297 : vector<16xf32> to vector<1x16xf32>
        tpu.vector_store %arg9[%swap3A_298, %swap3A_299], %swap3A_302 {strides = array<i32>} : memref<80x128xf32, #tpu.memory_space<vmem>>, vector<1x16xf32>,
        %get3A_303 = arith.index_cast %scan3A_209 : i32 to index
        %get3A_304 = arith.constant 80 : index
        %get3A_305 = tpu.vector_load %arg9[%get3A_303, %get3A_304] {strides = array<i32>} : memref<80x128xf32, #tpu.memory_space<vmem>>, vector<1x16xf32>,
        %get3A_306 = vector.shape_cast %get3A_305 : vector<1x16xf32> to vector<16xf32>
        %mul3A_307 = arith.constant 11.3137083 : f32
        %mul3A_308 = vector.broadcast %mul3A_307 : f32 to vector<16xf32>
        %mul3A_309 = arith.mulf %get3A_306, %mul3A_308 : vector<16xf32>
        %add3A_310 = arith.constant 80 : i32
        %add3A_311 = arith.addi %add3A_310, %scan3A_209 : i32
        %get3A_312 = arith.index_cast %add3A_311 : i32 to index
        %get3A_313 = arith.constant 80 : index
        %get3A_314 = tpu.vector_load %arg7[%get3A_312, %get3A_313] {strides = array<i32>} : memref<240x128xf32, #tpu.memory_space<vmem>>, vector<1x16xf32>,
        %get3A_315 = vector.shape_cast %get3A_314 : vector<1x16xf32> to vector<16xf32>
        %add3A_316 = arith.addf %mul3A_309, %get3A_315 : vector<16xf32>
        %swap3A_317 = arith.index_cast %scan3A_209 : i32 to index
        %swap3A_318 = arith.constant 80 : index
        %swap3A_319 = tpu.vector_load %arg9[%swap3A_317, %swap3A_318] {strides = array<i32>} : memref<80x128xf32, #tpu.memory_space<vmem>>, vector<1x16xf32>,
        %swap3A_320 = vector.shape_cast %swap3A_319 : vector<1x16xf32> to vector<16xf32>
        %swap3A_321 = vector.shape_cast %add3A_316 : vector<16xf32> to vector<1x16xf32>
        tpu.vector_store %arg9[%swap3A_317, %swap3A_318], %swap3A_321 {strides = array<i32>} : memref<80x128xf32, #tpu.memory_space<vmem>>, vector<1x16xf32>,
        %get3A_322 = arith.index_cast %scan3A_209 : i32 to index
        %get3A_323 = arith.constant 96 : index
        %get3A_324 = tpu.vector_load %arg9[%get3A_322, %get3A_323] {strides = array<i32>} : memref<80x128xf32, #tpu.memory_space<vmem>>, vector<1x16xf32>,
        %get3A_325 = vector.shape_cast %get3A_324 : vector<1x16xf32> to vector<16xf32>
        %mul3A_326 = arith.constant 11.3137083 : f32
        %mul3A_327 = vector.broadcast %mul3A_326 : f32 to vector<16xf32>
        %mul3A_328 = arith.mulf %get3A_325, %mul3A_327 : vector<16xf32>
        %add3A_329 = arith.constant 80 : i32
        %add3A_330 = arith.addi %add3A_329, %scan3A_209 : i32
        %get3A_331 = arith.index_cast %add3A_330 : i32 to index
        %get3A_332 = arith.constant 96 : index
        %get3A_333 = tpu.vector_load %arg7[%get3A_331, %get3A_332] {strides = array<i32>} : memref<240x128xf32, #tpu.memory_space<vmem>>, vector<1x16xf32>,
        %get3A_334 = vector.shape_cast %get3A_333 : vector<1x16xf32> to vector<16xf32>
        %add3A_335 = arith.addf %mul3A_328, %get3A_334 : vector<16xf32>
        %swap3A_336 = arith.index_cast %scan3A_209 : i32 to index
        %swap3A_337 = arith.constant 96 : index
        %swap3A_338 = tpu.vector_load %arg9[%swap3A_336, %swap3A_337] {strides = array<i32>} : memref<80x128xf32, #tpu.memory_space<vmem>>, vector<1x16xf32>,
        %swap3A_339 = vector.shape_cast %swap3A_338 : vector<1x16xf32> to vector<16xf32>
        %swap3A_340 = vector.shape_cast %add3A_335 : vector<16xf32> to vector<1x16xf32>
        tpu.vector_store %arg9[%swap3A_336, %swap3A_337], %swap3A_340 {strides = array<i32>} : memref<80x128xf32, #tpu.memory_space<vmem>>, vector<1x16xf32>,
        %get3A_341 = arith.index_cast %scan3A_209 : i32 to index
        %get3A_342 = arith.constant 112 : index
        %get3A_343 = tpu.vector_load %arg9[%get3A_341, %get3A_342] {strides = array<i32>} : memref<80x128xf32, #tpu.memory_space<vmem>>, vector<1x16xf32>,
        %get3A_344 = vector.shape_cast %get3A_343 : vector<1x16xf32> to vector<16xf32>
        %mul3A_345 = arith.constant 11.3137083 : f32
        %mul3A_346 = vector.broadcast %mul3A_345 : f32 to vector<16xf32>
        %mul3A_347 = arith.mulf %get3A_344, %mul3A_346 : vector<16xf32>
        %add3A_348 = arith.constant 80 : i32
        %add3A_349 = arith.addi %add3A_348, %scan3A_209 : i32
        %get3A_350 = arith.index_cast %add3A_349 : i32 to index
        %get3A_351 = arith.constant 112 : index
        %get3A_352 = tpu.vector_load %arg7[%get3A_350, %get3A_351] {strides = array<i32>} : memref<240x128xf32, #tpu.memory_space<vmem>>, vector<1x16xf32>,
        %get3A_353 = vector.shape_cast %get3A_352 : vector<1x16xf32> to vector<16xf32>
        %add3A_354 = arith.addf %mul3A_347, %get3A_353 : vector<16xf32>
        %swap3A_355 = arith.index_cast %scan3A_209 : i32 to index
        %swap3A_356 = arith.constant 112 : index
        %swap3A_357 = tpu.vector_load %arg9[%swap3A_355, %swap3A_356] {strides = array<i32>} : memref<80x128xf32, #tpu.memory_space<vmem>>, vector<1x16xf32>,
        %swap3A_358 = vector.shape_cast %swap3A_357 : vector<1x16xf32> to vector<16xf32>
        %swap3A_359 = vector.shape_cast %add3A_354 : vector<16xf32> to vector<1x16xf32>
        tpu.vector_store %arg9[%swap3A_355, %swap3A_356], %swap3A_359 {strides = array<i32>} : memref<80x128xf32, #tpu.memory_space<vmem>>, vector<1x16xf32>,
      }
      %scan3A_90 = arith.constant 80 : i32
      %mul3A_91 = arith.constant 80 : i32
      %mul3A_92 = arith.muli %add3A_78, %mul3A_91 : i32
      %add3A_93 = arith.addi %mul3A_10, %mul3A_92 : i32
      %dma_start3A_94 = arith.constant 0 : i32
      %dma_start3A_95 = tpu.memref_slice %arg5[%add3A_93, %dma_start3A_94] : memref<204800x128xf32, #tpu.memory_space<hbm>> -> memref<80x128xf32, #tpu.memory_space<hbm>>
      %dma_start3A_96 = arith.constant 0 : i32
      %dma_start3A_97 = tpu.memref_slice %arg5[%add3A_93, %dma_start3A_96] : memref<204800x128xf32, #tpu.memory_space<hbm>> -> memref<80x128xf32, #tpu.memory_space<hbm>>
      tpu.enqueue_dma source(%arg9 : memref<80x128xf32, #tpu.memory_space<vmem>>) target(%dma_start3A_97 : memref<80x128xf32, #tpu.memory_space<hbm>>) target_semaphore(%arg19 : memref<!tpu.dma_semaphore, #tpu.memory_space<semaphore_mem>>)
      %dma_wait3A_98 = arith.constant 0 : i32
      %dma_wait3A_99 = tpu.memref_slice %arg5[%add3A_70, %dma_wait3A_98] : memref<204800x128xf32, #tpu.memory_space<hbm>> -> memref<80x128xf32, #tpu.memory_space<hbm>>
      %dma_wait3A_100 = arith.constant 0 : i32
      %dma_wait3A_101 = tpu.memref_slice %arg5[%add3A_70, %dma_wait3A_100] : memref<204800x128xf32, #tpu.memory_space<hbm>> -> memref<80x128xf32, #tpu.memory_space<hbm>>
      tpu.wait_dma2 semaphore(%arg18 : memref<!tpu.dma_semaphore, #tpu.memory_space<semaphore_mem>>) src(%arg8 : memref<80x128xf32, #tpu.memory_space<vmem>>) dst(%dma_wait3A_101 : memref<80x128xf32, #tpu.memory_space<hbm>>)
      %lt3A = arith.constant 15 : i32
      %lt3A_102 = arith.cmpi slt, %scan3A_51, %lt3A : i32
      %convert_element_type3A = arith.extui %lt3A_102 : i1 to i32
      %cond3A = arith.constant 0 : i32
      %cond3A_103 = arith.cmpi ne, %convert_element_type3A, %cond3A : i32
      scf.if %cond3A_103 {
        %add3A_209 = arith.constant 1 : i32
        %add3A_210 = arith.addi %scan3A_51, %add3A_209 : i32
        %mul3A_211 = arith.constant 5 : i32
        %mul3A_212 = arith.muli %add3A_210, %mul3A_211 : i32
        %add3A_213 = arith.constant 1 : i32
        %add3A_214 = arith.addi %mul3A_212, %add3A_213 : i32
        %sub3A = arith.constant 1 : i32
        %sub3A_215 = arith.subi %add3A_214, %sub3A : i32
        %dma_start3A_216 = arith.constant 0 : i32
        %dma_start3A_217 = tpu.memref_slice %arg6[%sub3A_215, %dma_start3A_216] : memref<80x80xi32, #tpu.memory_space<vmem>> -> memref<1x80xi32, #tpu.memory_space<vmem>>
        %dma_start3A_218 = tpu.memref_squeeze %dma_start3A_217 : memref<1x80xi32, #tpu.memory_space<vmem>> -> memref<80xi32, #tpu.memory_space<vmem>>
        %dma_start3A_219 = arith.constant 0 : i32
        %dma_start3A_220 = arith.constant 0 : i32
        %dma_start3A_221 = tpu.memref_slice %arg4[%dma_start3A_219, %dma_start3A_220] : memref<100000x128xf32, #tpu.memory_space<hbm>> -> memref<100000x128xf32, #tpu.memory_space<hbm>>
        tpu.enqueue_indirect_dma source(%dma_start3A_221 : memref<100000x128xf32, #tpu.memory_space<hbm>>) target(%arg8 : memref<80x128xf32, #tpu.memory_space<vmem>>) offsets(%dma_start3A_218 : memref<80xi32, #tpu.memory_space<vmem>>) semaphore(%arg13 : memref<!tpu.dma_semaphore, #tpu.memory_space<semaphore_mem>>)
      } else {
      }
      %mul3A_104 = arith.constant 5 : i32
      %mul3A_105 = arith.muli %scan3A_51, %mul3A_104 : i32
      %add3A_106 = arith.constant 2 : i32
      %add3A_107 = arith.addi %mul3A_105, %add3A_106 : i32
      %dma_wait3A_108 = arith.constant 0 : i32
      %dma_wait3A_109 = tpu.memref_slice %arg6[%add3A_107, %dma_wait3A_108] : memref<80x80xi32, #tpu.memory_space<vmem>> -> memref<1x80xi32, #tpu.memory_space<vmem>>
      %dma_wait3A_110 = tpu.memref_squeeze %dma_wait3A_109 : memref<1x80xi32, #tpu.memory_space<vmem>> -> memref<80xi32, #tpu.memory_space<vmem>>
      %dma_wait3A_111 = arith.constant 0 : i32
      %dma_wait3A_112 = arith.constant 0 : i32
      %dma_wait3A_113 = tpu.memref_slice %arg4[%dma_wait3A_111, %dma_wait3A_112] : memref<100000x128xf32, #tpu.memory_space<hbm>> -> memref<100000x128xf32, #tpu.memory_space<hbm>>
      tpu.wait_indirect_dma semaphore(%arg15 : memref<!tpu.dma_semaphore, #tpu.memory_space<semaphore_mem>>) src(%dma_wait3A_113 : memref<100000x128xf32, #tpu.memory_space<hbm>>) dst(%arg10 : memref<80x128xf32, #tpu.memory_space<vmem>>)
      %scan3A_114 = arith.constant 0 : i32
      %scan3A_115 = arith.constant 0 : i32
      %scan3A_116 = arith.constant 80 : i32
      %scan3A_117 = arith.addi %scan3A_115, %scan3A_116 : i32
      %scan3A_118 = arith.constant 1 : i32
      scf.for %scan3A_209 = %scan3A_115 to %scan3A_117 step %scan3A_118  : i32 {
        %get3A = arith.index_cast %scan3A_209 : i32 to index
        %get3A_210 = arith.constant 0 : index
        %get3A_211 = tpu.vector_load %arg10[%get3A, %get3A_210] {strides = array<i32>} : memref<80x128xf32, #tpu.memory_space<vmem>>, vector<1x16xf32>,
        %get3A_212 = vector.shape_cast %get3A_211 : vector<1x16xf32> to vector<16xf32>
        %mul3A_213 = arith.constant 11.3137083 : f32
        %mul3A_214 = vector.broadcast %mul3A_213 : f32 to vector<16xf32>
        %mul3A_215 = arith.mulf %get3A_212, %mul3A_214 : vector<16xf32>
        %add3A_216 = arith.constant 160 : i32
        %add3A_217 = arith.addi %add3A_216, %scan3A_209 : i32
        %get3A_218 = arith.index_cast %add3A_217 : i32 to index
        %get3A_219 = arith.constant 0 : index
        %get3A_220 = tpu.vector_load %arg7[%get3A_218, %get3A_219] {strides = array<i32>} : memref<240x128xf32, #tpu.memory_space<vmem>>, vector<1x16xf32>,
        %get3A_221 = vector.shape_cast %get3A_220 : vector<1x16xf32> to vector<16xf32>
        %add3A_222 = arith.addf %mul3A_215, %get3A_221 : vector<16xf32>
        %swap3A = arith.index_cast %scan3A_209 : i32 to index
        %swap3A_223 = arith.constant 0 : index
        %swap3A_224 = tpu.vector_load %arg10[%swap3A, %swap3A_223] {strides = array<i32>} : memref<80x128xf32, #tpu.memory_space<vmem>>, vector<1x16xf32>,
        %swap3A_225 = vector.shape_cast %swap3A_224 : vector<1x16xf32> to vector<16xf32>
        %swap3A_226 = vector.shape_cast %add3A_222 : vector<16xf32> to vector<1x16xf32>
        tpu.vector_store %arg10[%swap3A, %swap3A_223], %swap3A_226 {strides = array<i32>} : memref<80x128xf32, #tpu.memory_space<vmem>>, vector<1x16xf32>,
        %get3A_227 = arith.index_cast %scan3A_209 : i32 to index
        %get3A_228 = arith.constant 16 : index
        %get3A_229 = tpu.vector_load %arg10[%get3A_227, %get3A_228] {strides = array<i32>} : memref<80x128xf32, #tpu.memory_space<vmem>>, vector<1x16xf32>,
        %get3A_230 = vector.shape_cast %get3A_229 : vector<1x16xf32> to vector<16xf32>
        %mul3A_231 = arith.constant 11.3137083 : f32
        %mul3A_232 = vector.broadcast %mul3A_231 : f32 to vector<16xf32>
        %mul3A_233 = arith.mulf %get3A_230, %mul3A_232 : vector<16xf32>
        %add3A_234 = arith.constant 160 : i32
        %add3A_235 = arith.addi %add3A_234, %scan3A_209 : i32
        %get3A_236 = arith.index_cast %add3A_235 : i32 to index
        %get3A_237 = arith.constant 16 : index
        %get3A_238 = tpu.vector_load %arg7[%get3A_236, %get3A_237] {strides = array<i32>} : memref<240x128xf32, #tpu.memory_space<vmem>>, vector<1x16xf32>,
        %get3A_239 = vector.shape_cast %get3A_238 : vector<1x16xf32> to vector<16xf32>
        %add3A_240 = arith.addf %mul3A_233, %get3A_239 : vector<16xf32>
        %swap3A_241 = arith.index_cast %scan3A_209 : i32 to index
        %swap3A_242 = arith.constant 16 : index
        %swap3A_243 = tpu.vector_load %arg10[%swap3A_241, %swap3A_242] {strides = array<i32>} : memref<80x128xf32, #tpu.memory_space<vmem>>, vector<1x16xf32>,
        %swap3A_244 = vector.shape_cast %swap3A_243 : vector<1x16xf32> to vector<16xf32>
        %swap3A_245 = vector.shape_cast %add3A_240 : vector<16xf32> to vector<1x16xf32>
        tpu.vector_store %arg10[%swap3A_241, %swap3A_242], %swap3A_245 {strides = array<i32>} : memref<80x128xf32, #tpu.memory_space<vmem>>, vector<1x16xf32>,
        %get3A_246 = arith.index_cast %scan3A_209 : i32 to index
        %get3A_247 = arith.constant 32 : index
        %get3A_248 = tpu.vector_load %arg10[%get3A_246, %get3A_247] {strides = array<i32>} : memref<80x128xf32, #tpu.memory_space<vmem>>, vector<1x16xf32>,
        %get3A_249 = vector.shape_cast %get3A_248 : vector<1x16xf32> to vector<16xf32>
        %mul3A_250 = arith.constant 11.3137083 : f32
        %mul3A_251 = vector.broadcast %mul3A_250 : f32 to vector<16xf32>
        %mul3A_252 = arith.mulf %get3A_249, %mul3A_251 : vector<16xf32>
        %add3A_253 = arith.constant 160 : i32
        %add3A_254 = arith.addi %add3A_253, %scan3A_209 : i32
        %get3A_255 = arith.index_cast %add3A_254 : i32 to index
        %get3A_256 = arith.constant 32 : index
        %get3A_257 = tpu.vector_load %arg7[%get3A_255, %get3A_256] {strides = array<i32>} : memref<240x128xf32, #tpu.memory_space<vmem>>, vector<1x16xf32>,
        %get3A_258 = vector.shape_cast %get3A_257 : vector<1x16xf32> to vector<16xf32>
        %add3A_259 = arith.addf %mul3A_252, %get3A_258 : vector<16xf32>
        %swap3A_260 = arith.index_cast %scan3A_209 : i32 to index
        %swap3A_261 = arith.constant 32 : index
        %swap3A_262 = tpu.vector_load %arg10[%swap3A_260, %swap3A_261] {strides = array<i32>} : memref<80x128xf32, #tpu.memory_space<vmem>>, vector<1x16xf32>,
        %swap3A_263 = vector.shape_cast %swap3A_262 : vector<1x16xf32> to vector<16xf32>
        %swap3A_264 = vector.shape_cast %add3A_259 : vector<16xf32> to vector<1x16xf32>
        tpu.vector_store %arg10[%swap3A_260, %swap3A_261], %swap3A_264 {strides = array<i32>} : memref<80x128xf32, #tpu.memory_space<vmem>>, vector<1x16xf32>,
        %get3A_265 = arith.index_cast %scan3A_209 : i32 to index
        %get3A_266 = arith.constant 48 : index
        %get3A_267 = tpu.vector_load %arg10[%get3A_265, %get3A_266] {strides = array<i32>} : memref<80x128xf32, #tpu.memory_space<vmem>>, vector<1x16xf32>,
        %get3A_268 = vector.shape_cast %get3A_267 : vector<1x16xf32> to vector<16xf32>
        %mul3A_269 = arith.constant 11.3137083 : f32
        %mul3A_270 = vector.broadcast %mul3A_269 : f32 to vector<16xf32>
        %mul3A_271 = arith.mulf %get3A_268, %mul3A_270 : vector<16xf32>
        %add3A_272 = arith.constant 160 : i32
        %add3A_273 = arith.addi %add3A_272, %scan3A_209 : i32
        %get3A_274 = arith.index_cast %add3A_273 : i32 to index
        %get3A_275 = arith.constant 48 : index
        %get3A_276 = tpu.vector_load %arg7[%get3A_274, %get3A_275] {strides = array<i32>} : memref<240x128xf32, #tpu.memory_space<vmem>>, vector<1x16xf32>,
        %get3A_277 = vector.shape_cast %get3A_276 : vector<1x16xf32> to vector<16xf32>
        %add3A_278 = arith.addf %mul3A_271, %get3A_277 : vector<16xf32>
        %swap3A_279 = arith.index_cast %scan3A_209 : i32 to index
        %swap3A_280 = arith.constant 48 : index
        %swap3A_281 = tpu.vector_load %arg10[%swap3A_279, %swap3A_280] {strides = array<i32>} : memref<80x128xf32, #tpu.memory_space<vmem>>, vector<1x16xf32>,
        %swap3A_282 = vector.shape_cast %swap3A_281 : vector<1x16xf32> to vector<16xf32>
        %swap3A_283 = vector.shape_cast %add3A_278 : vector<16xf32> to vector<1x16xf32>
        tpu.vector_store %arg10[%swap3A_279, %swap3A_280], %swap3A_283 {strides = array<i32>} : memref<80x128xf32, #tpu.memory_space<vmem>>, vector<1x16xf32>,
        %get3A_284 = arith.index_cast %scan3A_209 : i32 to index
        %get3A_285 = arith.constant 64 : index
        %get3A_286 = tpu.vector_load %arg10[%get3A_284, %get3A_285] {strides = array<i32>} : memref<80x128xf32, #tpu.memory_space<vmem>>, vector<1x16xf32>,
        %get3A_287 = vector.shape_cast %get3A_286 : vector<1x16xf32> to vector<16xf32>
        %mul3A_288 = arith.constant 11.3137083 : f32
        %mul3A_289 = vector.broadcast %mul3A_288 : f32 to vector<16xf32>
        %mul3A_290 = arith.mulf %get3A_287, %mul3A_289 : vector<16xf32>
        %add3A_291 = arith.constant 160 : i32
        %add3A_292 = arith.addi %add3A_291, %scan3A_209 : i32
        %get3A_293 = arith.index_cast %add3A_292 : i32 to index
        %get3A_294 = arith.constant 64 : index
        %get3A_295 = tpu.vector_load %arg7[%get3A_293, %get3A_294] {strides = array<i32>} : memref<240x128xf32, #tpu.memory_space<vmem>>, vector<1x16xf32>,
        %get3A_296 = vector.shape_cast %get3A_295 : vector<1x16xf32> to vector<16xf32>
        %add3A_297 = arith.addf %mul3A_290, %get3A_296 : vector<16xf32>
        %swap3A_298 = arith.index_cast %scan3A_209 : i32 to index
        %swap3A_299 = arith.constant 64 : index
        %swap3A_300 = tpu.vector_load %arg10[%swap3A_298, %swap3A_299] {strides = array<i32>} : memref<80x128xf32, #tpu.memory_space<vmem>>, vector<1x16xf32>,
        %swap3A_301 = vector.shape_cast %swap3A_300 : vector<1x16xf32> to vector<16xf32>
        %swap3A_302 = vector.shape_cast %add3A_297 : vector<16xf32> to vector<1x16xf32>
        tpu.vector_store %arg10[%swap3A_298, %swap3A_299], %swap3A_302 {strides = array<i32>} : memref<80x128xf32, #tpu.memory_space<vmem>>, vector<1x16xf32>,
        %get3A_303 = arith.index_cast %scan3A_209 : i32 to index
        %get3A_304 = arith.constant 80 : index
        %get3A_305 = tpu.vector_load %arg10[%get3A_303, %get3A_304] {strides = array<i32>} : memref<80x128xf32, #tpu.memory_space<vmem>>, vector<1x16xf32>,
        %get3A_306 = vector.shape_cast %get3A_305 : vector<1x16xf32> to vector<16xf32>
        %mul3A_307 = arith.constant 11.3137083 : f32
        %mul3A_308 = vector.broadcast %mul3A_307 : f32 to vector<16xf32>
        %mul3A_309 = arith.mulf %get3A_306, %mul3A_308 : vector<16xf32>
        %add3A_310 = arith.constant 160 : i32
        %add3A_311 = arith.addi %add3A_310, %scan3A_209 : i32
        %get3A_312 = arith.index_cast %add3A_311 : i32 to index
        %get3A_313 = arith.constant 80 : index
        %get3A_314 = tpu.vector_load %arg7[%get3A_312, %get3A_313] {strides = array<i32>} : memref<240x128xf32, #tpu.memory_space<vmem>>, vector<1x16xf32>,
        %get3A_315 = vector.shape_cast %get3A_314 : vector<1x16xf32> to vector<16xf32>
        %add3A_316 = arith.addf %mul3A_309, %get3A_315 : vector<16xf32>
        %swap3A_317 = arith.index_cast %scan3A_209 : i32 to index
        %swap3A_318 = arith.constant 80 : index
        %swap3A_319 = tpu.vector_load %arg10[%swap3A_317, %swap3A_318] {strides = array<i32>} : memref<80x128xf32, #tpu.memory_space<vmem>>, vector<1x16xf32>,
        %swap3A_320 = vector.shape_cast %swap3A_319 : vector<1x16xf32> to vector<16xf32>
        %swap3A_321 = vector.shape_cast %add3A_316 : vector<16xf32> to vector<1x16xf32>
        tpu.vector_store %arg10[%swap3A_317, %swap3A_318], %swap3A_321 {strides = array<i32>} : memref<80x128xf32, #tpu.memory_space<vmem>>, vector<1x16xf32>,
        %get3A_322 = arith.index_cast %scan3A_209 : i32 to index
        %get3A_323 = arith.constant 96 : index
        %get3A_324 = tpu.vector_load %arg10[%get3A_322, %get3A_323] {strides = array<i32>} : memref<80x128xf32, #tpu.memory_space<vmem>>, vector<1x16xf32>,
        %get3A_325 = vector.shape_cast %get3A_324 : vector<1x16xf32> to vector<16xf32>
        %mul3A_326 = arith.constant 11.3137083 : f32
        %mul3A_327 = vector.broadcast %mul3A_326 : f32 to vector<16xf32>
        %mul3A_328 = arith.mulf %get3A_325, %mul3A_327 : vector<16xf32>
        %add3A_329 = arith.constant 160 : i32
        %add3A_330 = arith.addi %add3A_329, %scan3A_209 : i32
        %get3A_331 = arith.index_cast %add3A_330 : i32 to index
        %get3A_332 = arith.constant 96 : index
        %get3A_333 = tpu.vector_load %arg7[%get3A_331, %get3A_332] {strides = array<i32>} : memref<240x128xf32, #tpu.memory_space<vmem>>, vector<1x16xf32>,
        %get3A_334 = vector.shape_cast %get3A_333 : vector<1x16xf32> to vector<16xf32>
        %add3A_335 = arith.addf %mul3A_328, %get3A_334 : vector<16xf32>
        %swap3A_336 = arith.index_cast %scan3A_209 : i32 to index
        %swap3A_337 = arith.constant 96 : index
        %swap3A_338 = tpu.vector_load %arg10[%swap3A_336, %swap3A_337] {strides = array<i32>} : memref<80x128xf32, #tpu.memory_space<vmem>>, vector<1x16xf32>,
        %swap3A_339 = vector.shape_cast %swap3A_338 : vector<1x16xf32> to vector<16xf32>
        %swap3A_340 = vector.shape_cast %add3A_335 : vector<16xf32> to vector<1x16xf32>
        tpu.vector_store %arg10[%swap3A_336, %swap3A_337], %swap3A_340 {strides = array<i32>} : memref<80x128xf32, #tpu.memory_space<vmem>>, vector<1x16xf32>,
        %get3A_341 = arith.index_cast %scan3A_209 : i32 to index
        %get3A_342 = arith.constant 112 : index
        %get3A_343 = tpu.vector_load %arg10[%get3A_341, %get3A_342] {strides = array<i32>} : memref<80x128xf32, #tpu.memory_space<vmem>>, vector<1x16xf32>,
        %get3A_344 = vector.shape_cast %get3A_343 : vector<1x16xf32> to vector<16xf32>
        %mul3A_345 = arith.constant 11.3137083 : f32
        %mul3A_346 = vector.broadcast %mul3A_345 : f32 to vector<16xf32>
        %mul3A_347 = arith.mulf %get3A_344, %mul3A_346 : vector<16xf32>
        %add3A_348 = arith.constant 160 : i32
        %add3A_349 = arith.addi %add3A_348, %scan3A_209 : i32
        %get3A_350 = arith.index_cast %add3A_349 : i32 to index
        %get3A_351 = arith.constant 112 : index
        %get3A_352 = tpu.vector_load %arg7[%get3A_350, %get3A_351] {strides = array<i32>} : memref<240x128xf32, #tpu.memory_space<vmem>>, vector<1x16xf32>,
        %get3A_353 = vector.shape_cast %get3A_352 : vector<1x16xf32> to vector<16xf32>
        %add3A_354 = arith.addf %mul3A_347, %get3A_353 : vector<16xf32>
        %swap3A_355 = arith.index_cast %scan3A_209 : i32 to index
        %swap3A_356 = arith.constant 112 : index
        %swap3A_357 = tpu.vector_load %arg10[%swap3A_355, %swap3A_356] {strides = array<i32>} : memref<80x128xf32, #tpu.memory_space<vmem>>, vector<1x16xf32>,
        %swap3A_358 = vector.shape_cast %swap3A_357 : vector<1x16xf32> to vector<16xf32>
        %swap3A_359 = vector.shape_cast %add3A_354 : vector<16xf32> to vector<1x16xf32>
        tpu.vector_store %arg10[%swap3A_355, %swap3A_356], %swap3A_359 {strides = array<i32>} : memref<80x128xf32, #tpu.memory_space<vmem>>, vector<1x16xf32>,
      }
      %scan3A_119 = arith.constant 80 : i32
      %mul3A_120 = arith.constant 80 : i32
      %mul3A_121 = arith.muli %add3A_107, %mul3A_120 : i32
      %add3A_122 = arith.addi %mul3A_10, %mul3A_121 : i32
      %dma_start3A_123 = arith.constant 0 : i32
      %dma_start3A_124 = tpu.memref_slice %arg5[%add3A_122, %dma_start3A_123] : memref<204800x128xf32, #tpu.memory_space<hbm>> -> memref<80x128xf32, #tpu.memory_space<hbm>>
      %dma_start3A_125 = arith.constant 0 : i32
      %dma_start3A_126 = tpu.memref_slice %arg5[%add3A_122, %dma_start3A_125] : memref<204800x128xf32, #tpu.memory_space<hbm>> -> memref<80x128xf32, #tpu.memory_space<hbm>>
      tpu.enqueue_dma source(%arg10 : memref<80x128xf32, #tpu.memory_space<vmem>>) target(%dma_start3A_126 : memref<80x128xf32, #tpu.memory_space<hbm>>) target_semaphore(%arg20 : memref<!tpu.dma_semaphore, #tpu.memory_space<semaphore_mem>>)
      %dma_wait3A_127 = arith.constant 0 : i32
      %dma_wait3A_128 = tpu.memref_slice %arg5[%add3A_93, %dma_wait3A_127] : memref<204800x128xf32, #tpu.memory_space<hbm>> -> memref<80x128xf32, #tpu.memory_space<hbm>>
      %dma_wait3A_129 = arith.constant 0 : i32
      %dma_wait3A_130 = tpu.memref_slice %arg5[%add3A_93, %dma_wait3A_129] : memref<204800x128xf32, #tpu.memory_space<hbm>> -> memref<80x128xf32, #tpu.memory_space<hbm>>
      tpu.wait_dma2 semaphore(%arg19 : memref<!tpu.dma_semaphore, #tpu.memory_space<semaphore_mem>>) src(%arg9 : memref<80x128xf32, #tpu.memory_space<vmem>>) dst(%dma_wait3A_130 : memref<80x128xf32, #tpu.memory_space<hbm>>)
      %lt3A_131 = arith.constant 15 : i32
      %lt3A_132 = arith.cmpi slt, %scan3A_51, %lt3A_131 : i32
      %convert_element_type3A_133 = arith.extui %lt3A_132 : i1 to i32
      %cond3A_134 = arith.constant 0 : i32
      %cond3A_135 = arith.cmpi ne, %convert_element_type3A_133, %cond3A_134 : i32
      scf.if %cond3A_135 {
        %add3A_209 = arith.constant 1 : i32
        %add3A_210 = arith.addi %scan3A_51, %add3A_209 : i32
        %mul3A_211 = arith.constant 5 : i32
        %mul3A_212 = arith.muli %add3A_210, %mul3A_211 : i32
        %add3A_213 = arith.constant 2 : i32
        %add3A_214 = arith.addi %mul3A_212, %add3A_213 : i32
        %sub3A = arith.constant 1 : i32
        %sub3A_215 = arith.subi %add3A_214, %sub3A : i32
        %dma_start3A_216 = arith.constant 0 : i32
        %dma_start3A_217 = tpu.memref_slice %arg6[%sub3A_215, %dma_start3A_216] : memref<80x80xi32, #tpu.memory_space<vmem>> -> memref<1x80xi32, #tpu.memory_space<vmem>>
        %dma_start3A_218 = tpu.memref_squeeze %dma_start3A_217 : memref<1x80xi32, #tpu.memory_space<vmem>> -> memref<80xi32, #tpu.memory_space<vmem>>
        %dma_start3A_219 = arith.constant 0 : i32
        %dma_start3A_220 = arith.constant 0 : i32
        %dma_start3A_221 = tpu.memref_slice %arg4[%dma_start3A_219, %dma_start3A_220] : memref<100000x128xf32, #tpu.memory_space<hbm>> -> memref<100000x128xf32, #tpu.memory_space<hbm>>
        tpu.enqueue_indirect_dma source(%dma_start3A_221 : memref<100000x128xf32, #tpu.memory_space<hbm>>) target(%arg9 : memref<80x128xf32, #tpu.memory_space<vmem>>) offsets(%dma_start3A_218 : memref<80xi32, #tpu.memory_space<vmem>>) semaphore(%arg14 : memref<!tpu.dma_semaphore, #tpu.memory_space<semaphore_mem>>)
      } else {
      }
      %mul3A_136 = arith.constant 5 : i32
      %mul3A_137 = arith.muli %scan3A_51, %mul3A_136 : i32
      %add3A_138 = arith.constant 3 : i32
      %add3A_139 = arith.addi %mul3A_137, %add3A_138 : i32
      %dma_wait3A_140 = arith.constant 0 : i32
      %dma_wait3A_141 = tpu.memref_slice %arg6[%add3A_139, %dma_wait3A_140] : memref<80x80xi32, #tpu.memory_space<vmem>> -> memref<1x80xi32, #tpu.memory_space<vmem>>
      %dma_wait3A_142 = tpu.memref_squeeze %dma_wait3A_141 : memref<1x80xi32, #tpu.memory_space<vmem>> -> memref<80xi32, #tpu.memory_space<vmem>>
      %dma_wait3A_143 = arith.constant 0 : i32
      %dma_wait3A_144 = arith.constant 0 : i32
      %dma_wait3A_145 = tpu.memref_slice %arg4[%dma_wait3A_143, %dma_wait3A_144] : memref<100000x128xf32, #tpu.memory_space<hbm>> -> memref<100000x128xf32, #tpu.memory_space<hbm>>
      tpu.wait_indirect_dma semaphore(%arg16 : memref<!tpu.dma_semaphore, #tpu.memory_space<semaphore_mem>>) src(%dma_wait3A_145 : memref<100000x128xf32, #tpu.memory_space<hbm>>) dst(%arg11 : memref<80x128xf32, #tpu.memory_space<vmem>>)
      %scan3A_146 = arith.constant 0 : i32
      %scan3A_147 = arith.constant 0 : i32
      %scan3A_148 = arith.constant 80 : i32
      %scan3A_149 = arith.addi %scan3A_147, %scan3A_148 : i32
      %scan3A_150 = arith.constant 1 : i32
      scf.for %scan3A_209 = %scan3A_147 to %scan3A_149 step %scan3A_150  : i32 {
        %get3A = arith.index_cast %scan3A_209 : i32 to index
        %get3A_210 = arith.constant 0 : index
        %get3A_211 = tpu.vector_load %arg11[%get3A, %get3A_210] {strides = array<i32>} : memref<80x128xf32, #tpu.memory_space<vmem>>, vector<1x16xf32>,
        %get3A_212 = vector.shape_cast %get3A_211 : vector<1x16xf32> to vector<16xf32>
        %mul3A_213 = arith.constant 11.3137083 : f32
        %mul3A_214 = vector.broadcast %mul3A_213 : f32 to vector<16xf32>
        %mul3A_215 = arith.mulf %get3A_212, %mul3A_214 : vector<16xf32>
        %add3A_216 = arith.constant 40 : i32
        %add3A_217 = arith.addi %add3A_216, %scan3A_209 : i32
        %get3A_218 = arith.index_cast %add3A_217 : i32 to index
        %get3A_219 = arith.constant 0 : index
        %get3A_220 = tpu.vector_load %arg7[%get3A_218, %get3A_219] {strides = array<i32>} : memref<240x128xf32, #tpu.memory_space<vmem>>, vector<1x16xf32>,
        %get3A_221 = vector.shape_cast %get3A_220 : vector<1x16xf32> to vector<16xf32>
        %add3A_222 = arith.addf %mul3A_215, %get3A_221 : vector<16xf32>
        %swap3A = arith.index_cast %scan3A_209 : i32 to index
        %swap3A_223 = arith.constant 0 : index
        %swap3A_224 = tpu.vector_load %arg11[%swap3A, %swap3A_223] {strides = array<i32>} : memref<80x128xf32, #tpu.memory_space<vmem>>, vector<1x16xf32>,
        %swap3A_225 = vector.shape_cast %swap3A_224 : vector<1x16xf32> to vector<16xf32>
        %swap3A_226 = vector.shape_cast %add3A_222 : vector<16xf32> to vector<1x16xf32>
        tpu.vector_store %arg11[%swap3A, %swap3A_223], %swap3A_226 {strides = array<i32>} : memref<80x128xf32, #tpu.memory_space<vmem>>, vector<1x16xf32>,
        %get3A_227 = arith.index_cast %scan3A_209 : i32 to index
        %get3A_228 = arith.constant 16 : index
        %get3A_229 = tpu.vector_load %arg11[%get3A_227, %get3A_228] {strides = array<i32>} : memref<80x128xf32, #tpu.memory_space<vmem>>, vector<1x16xf32>,
        %get3A_230 = vector.shape_cast %get3A_229 : vector<1x16xf32> to vector<16xf32>
        %mul3A_231 = arith.constant 11.3137083 : f32
        %mul3A_232 = vector.broadcast %mul3A_231 : f32 to vector<16xf32>
        %mul3A_233 = arith.mulf %get3A_230, %mul3A_232 : vector<16xf32>
        %add3A_234 = arith.constant 40 : i32
        %add3A_235 = arith.addi %add3A_234, %scan3A_209 : i32
        %get3A_236 = arith.index_cast %add3A_235 : i32 to index
        %get3A_237 = arith.constant 16 : index
        %get3A_238 = tpu.vector_load %arg7[%get3A_236, %get3A_237] {strides = array<i32>} : memref<240x128xf32, #tpu.memory_space<vmem>>, vector<1x16xf32>,
        %get3A_239 = vector.shape_cast %get3A_238 : vector<1x16xf32> to vector<16xf32>
        %add3A_240 = arith.addf %mul3A_233, %get3A_239 : vector<16xf32>
        %swap3A_241 = arith.index_cast %scan3A_209 : i32 to index
        %swap3A_242 = arith.constant 16 : index
        %swap3A_243 = tpu.vector_load %arg11[%swap3A_241, %swap3A_242] {strides = array<i32>} : memref<80x128xf32, #tpu.memory_space<vmem>>, vector<1x16xf32>,
        %swap3A_244 = vector.shape_cast %swap3A_243 : vector<1x16xf32> to vector<16xf32>
        %swap3A_245 = vector.shape_cast %add3A_240 : vector<16xf32> to vector<1x16xf32>
        tpu.vector_store %arg11[%swap3A_241, %swap3A_242], %swap3A_245 {strides = array<i32>} : memref<80x128xf32, #tpu.memory_space<vmem>>, vector<1x16xf32>,
        %get3A_246 = arith.index_cast %scan3A_209 : i32 to index
        %get3A_247 = arith.constant 32 : index
        %get3A_248 = tpu.vector_load %arg11[%get3A_246, %get3A_247] {strides = array<i32>} : memref<80x128xf32, #tpu.memory_space<vmem>>, vector<1x16xf32>,
        %get3A_249 = vector.shape_cast %get3A_248 : vector<1x16xf32> to vector<16xf32>
        %mul3A_250 = arith.constant 11.3137083 : f32
        %mul3A_251 = vector.broadcast %mul3A_250 : f32 to vector<16xf32>
        %mul3A_252 = arith.mulf %get3A_249, %mul3A_251 : vector<16xf32>
        %add3A_253 = arith.constant 40 : i32
        %add3A_254 = arith.addi %add3A_253, %scan3A_209 : i32
        %get3A_255 = arith.index_cast %add3A_254 : i32 to index
        %get3A_256 = arith.constant 32 : index
        %get3A_257 = tpu.vector_load %arg7[%get3A_255, %get3A_256] {strides = array<i32>} : memref<240x128xf32, #tpu.memory_space<vmem>>, vector<1x16xf32>,
        %get3A_258 = vector.shape_cast %get3A_257 : vector<1x16xf32> to vector<16xf32>
        %add3A_259 = arith.addf %mul3A_252, %get3A_258 : vector<16xf32>
        %swap3A_260 = arith.index_cast %scan3A_209 : i32 to index
        %swap3A_261 = arith.constant 32 : index
        %swap3A_262 = tpu.vector_load %arg11[%swap3A_260, %swap3A_261] {strides = array<i32>} : memref<80x128xf32, #tpu.memory_space<vmem>>, vector<1x16xf32>,
        %swap3A_263 = vector.shape_cast %swap3A_262 : vector<1x16xf32> to vector<16xf32>
        %swap3A_264 = vector.shape_cast %add3A_259 : vector<16xf32> to vector<1x16xf32>
        tpu.vector_store %arg11[%swap3A_260, %swap3A_261], %swap3A_264 {strides = array<i32>} : memref<80x128xf32, #tpu.memory_space<vmem>>, vector<1x16xf32>,
        %get3A_265 = arith.index_cast %scan3A_209 : i32 to index
        %get3A_266 = arith.constant 48 : index
        %get3A_267 = tpu.vector_load %arg11[%get3A_265, %get3A_266] {strides = array<i32>} : memref<80x128xf32, #tpu.memory_space<vmem>>, vector<1x16xf32>,
        %get3A_268 = vector.shape_cast %get3A_267 : vector<1x16xf32> to vector<16xf32>
        %mul3A_269 = arith.constant 11.3137083 : f32
        %mul3A_270 = vector.broadcast %mul3A_269 : f32 to vector<16xf32>
        %mul3A_271 = arith.mulf %get3A_268, %mul3A_270 : vector<16xf32>
        %add3A_272 = arith.constant 40 : i32
        %add3A_273 = arith.addi %add3A_272, %scan3A_209 : i32
        %get3A_274 = arith.index_cast %add3A_273 : i32 to index
        %get3A_275 = arith.constant 48 : index
        %get3A_276 = tpu.vector_load %arg7[%get3A_274, %get3A_275] {strides = array<i32>} : memref<240x128xf32, #tpu.memory_space<vmem>>, vector<1x16xf32>,
        %get3A_277 = vector.shape_cast %get3A_276 : vector<1x16xf32> to vector<16xf32>
        %add3A_278 = arith.addf %mul3A_271, %get3A_277 : vector<16xf32>
        %swap3A_279 = arith.index_cast %scan3A_209 : i32 to index
        %swap3A_280 = arith.constant 48 : index
        %swap3A_281 = tpu.vector_load %arg11[%swap3A_279, %swap3A_280] {strides = array<i32>} : memref<80x128xf32, #tpu.memory_space<vmem>>, vector<1x16xf32>,
        %swap3A_282 = vector.shape_cast %swap3A_281 : vector<1x16xf32> to vector<16xf32>
        %swap3A_283 = vector.shape_cast %add3A_278 : vector<16xf32> to vector<1x16xf32>
        tpu.vector_store %arg11[%swap3A_279, %swap3A_280], %swap3A_283 {strides = array<i32>} : memref<80x128xf32, #tpu.memory_space<vmem>>, vector<1x16xf32>,
        %get3A_284 = arith.index_cast %scan3A_209 : i32 to index
        %get3A_285 = arith.constant 64 : index
        %get3A_286 = tpu.vector_load %arg11[%get3A_284, %get3A_285] {strides = array<i32>} : memref<80x128xf32, #tpu.memory_space<vmem>>, vector<1x16xf32>,
        %get3A_287 = vector.shape_cast %get3A_286 : vector<1x16xf32> to vector<16xf32>
        %mul3A_288 = arith.constant 11.3137083 : f32
        %mul3A_289 = vector.broadcast %mul3A_288 : f32 to vector<16xf32>
        %mul3A_290 = arith.mulf %get3A_287, %mul3A_289 : vector<16xf32>
        %add3A_291 = arith.constant 40 : i32
        %add3A_292 = arith.addi %add3A_291, %scan3A_209 : i32
        %get3A_293 = arith.index_cast %add3A_292 : i32 to index
        %get3A_294 = arith.constant 64 : index
        %get3A_295 = tpu.vector_load %arg7[%get3A_293, %get3A_294] {strides = array<i32>} : memref<240x128xf32, #tpu.memory_space<vmem>>, vector<1x16xf32>,
        %get3A_296 = vector.shape_cast %get3A_295 : vector<1x16xf32> to vector<16xf32>
        %add3A_297 = arith.addf %mul3A_290, %get3A_296 : vector<16xf32>
        %swap3A_298 = arith.index_cast %scan3A_209 : i32 to index
        %swap3A_299 = arith.constant 64 : index
        %swap3A_300 = tpu.vector_load %arg11[%swap3A_298, %swap3A_299] {strides = array<i32>} : memref<80x128xf32, #tpu.memory_space<vmem>>, vector<1x16xf32>,
        %swap3A_301 = vector.shape_cast %swap3A_300 : vector<1x16xf32> to vector<16xf32>
        %swap3A_302 = vector.shape_cast %add3A_297 : vector<16xf32> to vector<1x16xf32>
        tpu.vector_store %arg11[%swap3A_298, %swap3A_299], %swap3A_302 {strides = array<i32>} : memref<80x128xf32, #tpu.memory_space<vmem>>, vector<1x16xf32>,
        %get3A_303 = arith.index_cast %scan3A_209 : i32 to index
        %get3A_304 = arith.constant 80 : index
        %get3A_305 = tpu.vector_load %arg11[%get3A_303, %get3A_304] {strides = array<i32>} : memref<80x128xf32, #tpu.memory_space<vmem>>, vector<1x16xf32>,
        %get3A_306 = vector.shape_cast %get3A_305 : vector<1x16xf32> to vector<16xf32>
        %mul3A_307 = arith.constant 11.3137083 : f32
        %mul3A_308 = vector.broadcast %mul3A_307 : f32 to vector<16xf32>
        %mul3A_309 = arith.mulf %get3A_306, %mul3A_308 : vector<16xf32>
        %add3A_310 = arith.constant 40 : i32
        %add3A_311 = arith.addi %add3A_310, %scan3A_209 : i32
        %get3A_312 = arith.index_cast %add3A_311 : i32 to index
        %get3A_313 = arith.constant 80 : index
        %get3A_314 = tpu.vector_load %arg7[%get3A_312, %get3A_313] {strides = array<i32>} : memref<240x128xf32, #tpu.memory_space<vmem>>, vector<1x16xf32>,
        %get3A_315 = vector.shape_cast %get3A_314 : vector<1x16xf32> to vector<16xf32>
        %add3A_316 = arith.addf %mul3A_309, %get3A_315 : vector<16xf32>
        %swap3A_317 = arith.index_cast %scan3A_209 : i32 to index
        %swap3A_318 = arith.constant 80 : index
        %swap3A_319 = tpu.vector_load %arg11[%swap3A_317, %swap3A_318] {strides = array<i32>} : memref<80x128xf32, #tpu.memory_space<vmem>>, vector<1x16xf32>,
        %swap3A_320 = vector.shape_cast %swap3A_319 : vector<1x16xf32> to vector<16xf32>
        %swap3A_321 = vector.shape_cast %add3A_316 : vector<16xf32> to vector<1x16xf32>
        tpu.vector_store %arg11[%swap3A_317, %swap3A_318], %swap3A_321 {strides = array<i32>} : memref<80x128xf32, #tpu.memory_space<vmem>>, vector<1x16xf32>,
        %get3A_322 = arith.index_cast %scan3A_209 : i32 to index
        %get3A_323 = arith.constant 96 : index
        %get3A_324 = tpu.vector_load %arg11[%get3A_322, %get3A_323] {strides = array<i32>} : memref<80x128xf32, #tpu.memory_space<vmem>>, vector<1x16xf32>,
        %get3A_325 = vector.shape_cast %get3A_324 : vector<1x16xf32> to vector<16xf32>
        %mul3A_326 = arith.constant 11.3137083 : f32
        %mul3A_327 = vector.broadcast %mul3A_326 : f32 to vector<16xf32>
        %mul3A_328 = arith.mulf %get3A_325, %mul3A_327 : vector<16xf32>
        %add3A_329 = arith.constant 40 : i32
        %add3A_330 = arith.addi %add3A_329, %scan3A_209 : i32
        %get3A_331 = arith.index_cast %add3A_330 : i32 to index
        %get3A_332 = arith.constant 96 : index
        %get3A_333 = tpu.vector_load %arg7[%get3A_331, %get3A_332] {strides = array<i32>} : memref<240x128xf32, #tpu.memory_space<vmem>>, vector<1x16xf32>,
        %get3A_334 = vector.shape_cast %get3A_333 : vector<1x16xf32> to vector<16xf32>
        %add3A_335 = arith.addf %mul3A_328, %get3A_334 : vector<16xf32>
        %swap3A_336 = arith.index_cast %scan3A_209 : i32 to index
        %swap3A_337 = arith.constant 96 : index
        %swap3A_338 = tpu.vector_load %arg11[%swap3A_336, %swap3A_337] {strides = array<i32>} : memref<80x128xf32, #tpu.memory_space<vmem>>, vector<1x16xf32>,
        %swap3A_339 = vector.shape_cast %swap3A_338 : vector<1x16xf32> to vector<16xf32>
        %swap3A_340 = vector.shape_cast %add3A_335 : vector<16xf32> to vector<1x16xf32>
        tpu.vector_store %arg11[%swap3A_336, %swap3A_337], %swap3A_340 {strides = array<i32>} : memref<80x128xf32, #tpu.memory_space<vmem>>, vector<1x16xf32>,
        %get3A_341 = arith.index_cast %scan3A_209 : i32 to index
        %get3A_342 = arith.constant 112 : index
        %get3A_343 = tpu.vector_load %arg11[%get3A_341, %get3A_342] {strides = array<i32>} : memref<80x128xf32, #tpu.memory_space<vmem>>, vector<1x16xf32>,
        %get3A_344 = vector.shape_cast %get3A_343 : vector<1x16xf32> to vector<16xf32>
        %mul3A_345 = arith.constant 11.3137083 : f32
        %mul3A_346 = vector.broadcast %mul3A_345 : f32 to vector<16xf32>
        %mul3A_347 = arith.mulf %get3A_344, %mul3A_346 : vector<16xf32>
        %add3A_348 = arith.constant 40 : i32
        %add3A_349 = arith.addi %add3A_348, %scan3A_209 : i32
        %get3A_350 = arith.index_cast %add3A_349 : i32 to index
        %get3A_351 = arith.constant 112 : index
        %get3A_352 = tpu.vector_load %arg7[%get3A_350, %get3A_351] {strides = array<i32>} : memref<240x128xf32, #tpu.memory_space<vmem>>, vector<1x16xf32>,
        %get3A_353 = vector.shape_cast %get3A_352 : vector<1x16xf32> to vector<16xf32>
        %add3A_354 = arith.addf %mul3A_347, %get3A_353 : vector<16xf32>
        %swap3A_355 = arith.index_cast %scan3A_209 : i32 to index
        %swap3A_356 = arith.constant 112 : index
        %swap3A_357 = tpu.vector_load %arg11[%swap3A_355, %swap3A_356] {strides = array<i32>} : memref<80x128xf32, #tpu.memory_space<vmem>>, vector<1x16xf32>,
        %swap3A_358 = vector.shape_cast %swap3A_357 : vector<1x16xf32> to vector<16xf32>
        %swap3A_359 = vector.shape_cast %add3A_354 : vector<16xf32> to vector<1x16xf32>
        tpu.vector_store %arg11[%swap3A_355, %swap3A_356], %swap3A_359 {strides = array<i32>} : memref<80x128xf32, #tpu.memory_space<vmem>>, vector<1x16xf32>,
      }
      %scan3A_151 = arith.constant 80 : i32
      %mul3A_152 = arith.constant 80 : i32
      %mul3A_153 = arith.muli %add3A_139, %mul3A_152 : i32
      %add3A_154 = arith.addi %mul3A_10, %mul3A_153 : i32
      %dma_start3A_155 = arith.constant 0 : i32
      %dma_start3A_156 = tpu.memref_slice %arg5[%add3A_154, %dma_start3A_155] : memref<204800x128xf32, #tpu.memory_space<hbm>> -> memref<80x128xf32, #tpu.memory_space<hbm>>
      %dma_start3A_157 = arith.constant 0 : i32
      %dma_start3A_158 = tpu.memref_slice %arg5[%add3A_154, %dma_start3A_157] : memref<204800x128xf32, #tpu.memory_space<hbm>> -> memref<80x128xf32, #tpu.memory_space<hbm>>
      tpu.enqueue_dma source(%arg11 : memref<80x128xf32, #tpu.memory_space<vmem>>) target(%dma_start3A_158 : memref<80x128xf32, #tpu.memory_space<hbm>>) target_semaphore(%arg21 : memref<!tpu.dma_semaphore, #tpu.memory_space<semaphore_mem>>)
      %dma_wait3A_159 = arith.constant 0 : i32
      %dma_wait3A_160 = tpu.memref_slice %arg5[%add3A_122, %dma_wait3A_159] : memref<204800x128xf32, #tpu.memory_space<hbm>> -> memref<80x128xf32, #tpu.memory_space<hbm>>
      %dma_wait3A_161 = arith.constant 0 : i32
      %dma_wait3A_162 = tpu.memref_slice %arg5[%add3A_122, %dma_wait3A_161] : memref<204800x128xf32, #tpu.memory_space<hbm>> -> memref<80x128xf32, #tpu.memory_space<hbm>>
      tpu.wait_dma2 semaphore(%arg20 : memref<!tpu.dma_semaphore, #tpu.memory_space<semaphore_mem>>) src(%arg10 : memref<80x128xf32, #tpu.memory_space<vmem>>) dst(%dma_wait3A_162 : memref<80x128xf32, #tpu.memory_space<hbm>>)
      %lt3A_163 = arith.constant 15 : i32
      %lt3A_164 = arith.cmpi slt, %scan3A_51, %lt3A_163 : i32
      %convert_element_type3A_165 = arith.extui %lt3A_164 : i1 to i32
      %cond3A_166 = arith.constant 0 : i32
      %cond3A_167 = arith.cmpi ne, %convert_element_type3A_165, %cond3A_166 : i32
      scf.if %cond3A_167 {
        %add3A_209 = arith.constant 1 : i32
        %add3A_210 = arith.addi %scan3A_51, %add3A_209 : i32
        %mul3A_211 = arith.constant 5 : i32
        %mul3A_212 = arith.muli %add3A_210, %mul3A_211 : i32
        %add3A_213 = arith.constant 3 : i32
        %add3A_214 = arith.addi %mul3A_212, %add3A_213 : i32
        %sub3A = arith.constant 1 : i32
        %sub3A_215 = arith.subi %add3A_214, %sub3A : i32
        %dma_start3A_216 = arith.constant 0 : i32
        %dma_start3A_217 = tpu.memref_slice %arg6[%sub3A_215, %dma_start3A_216] : memref<80x80xi32, #tpu.memory_space<vmem>> -> memref<1x80xi32, #tpu.memory_space<vmem>>
        %dma_start3A_218 = tpu.memref_squeeze %dma_start3A_217 : memref<1x80xi32, #tpu.memory_space<vmem>> -> memref<80xi32, #tpu.memory_space<vmem>>
        %dma_start3A_219 = arith.constant 0 : i32
        %dma_start3A_220 = arith.constant 0 : i32
        %dma_start3A_221 = tpu.memref_slice %arg4[%dma_start3A_219, %dma_start3A_220] : memref<100000x128xf32, #tpu.memory_space<hbm>> -> memref<100000x128xf32, #tpu.memory_space<hbm>>
        tpu.enqueue_indirect_dma source(%dma_start3A_221 : memref<100000x128xf32, #tpu.memory_space<hbm>>) target(%arg10 : memref<80x128xf32, #tpu.memory_space<vmem>>) offsets(%dma_start3A_218 : memref<80xi32, #tpu.memory_space<vmem>>) semaphore(%arg15 : memref<!tpu.dma_semaphore, #tpu.memory_space<semaphore_mem>>)
      } else {
      }
      %mul3A_168 = arith.constant 5 : i32
      %mul3A_169 = arith.muli %scan3A_51, %mul3A_168 : i32
      %add3A_170 = arith.constant 4 : i32
      %add3A_171 = arith.addi %mul3A_169, %add3A_170 : i32
      %dma_wait3A_172 = arith.constant 0 : i32
      %dma_wait3A_173 = tpu.memref_slice %arg6[%add3A_171, %dma_wait3A_172] : memref<80x80xi32, #tpu.memory_space<vmem>> -> memref<1x80xi32, #tpu.memory_space<vmem>>
      %dma_wait3A_174 = tpu.memref_squeeze %dma_wait3A_173 : memref<1x80xi32, #tpu.memory_space<vmem>> -> memref<80xi32, #tpu.memory_space<vmem>>
      %dma_wait3A_175 = arith.constant 0 : i32
      %dma_wait3A_176 = arith.constant 0 : i32
      %dma_wait3A_177 = tpu.memref_slice %arg4[%dma_wait3A_175, %dma_wait3A_176] : memref<100000x128xf32, #tpu.memory_space<hbm>> -> memref<100000x128xf32, #tpu.memory_space<hbm>>
      tpu.wait_indirect_dma semaphore(%arg17 : memref<!tpu.dma_semaphore, #tpu.memory_space<semaphore_mem>>) src(%dma_wait3A_177 : memref<100000x128xf32, #tpu.memory_space<hbm>>) dst(%arg12 : memref<80x128xf32, #tpu.memory_space<vmem>>)
      %scan3A_178 = arith.constant 0 : i32
      %scan3A_179 = arith.constant 0 : i32
      %scan3A_180 = arith.constant 80 : i32
      %scan3A_181 = arith.addi %scan3A_179, %scan3A_180 : i32
      %scan3A_182 = arith.constant 1 : i32
      scf.for %scan3A_209 = %scan3A_179 to %scan3A_181 step %scan3A_182  : i32 {
        %get3A = arith.index_cast %scan3A_209 : i32 to index
        %get3A_210 = arith.constant 0 : index
        %get3A_211 = tpu.vector_load %arg12[%get3A, %get3A_210] {strides = array<i32>} : memref<80x128xf32, #tpu.memory_space<vmem>>, vector<1x16xf32>,
        %get3A_212 = vector.shape_cast %get3A_211 : vector<1x16xf32> to vector<16xf32>
        %mul3A_213 = arith.constant 11.3137083 : f32
        %mul3A_214 = vector.broadcast %mul3A_213 : f32 to vector<16xf32>
        %mul3A_215 = arith.mulf %get3A_212, %mul3A_214 : vector<16xf32>
        %add3A_216 = arith.constant 120 : i32
        %add3A_217 = arith.addi %add3A_216, %scan3A_209 : i32
        %get3A_218 = arith.index_cast %add3A_217 : i32 to index
        %get3A_219 = arith.constant 0 : index
        %get3A_220 = tpu.vector_load %arg7[%get3A_218, %get3A_219] {strides = array<i32>} : memref<240x128xf32, #tpu.memory_space<vmem>>, vector<1x16xf32>,
        %get3A_221 = vector.shape_cast %get3A_220 : vector<1x16xf32> to vector<16xf32>
        %add3A_222 = arith.addf %mul3A_215, %get3A_221 : vector<16xf32>
        %swap3A = arith.index_cast %scan3A_209 : i32 to index
        %swap3A_223 = arith.constant 0 : index
        %swap3A_224 = tpu.vector_load %arg12[%swap3A, %swap3A_223] {strides = array<i32>} : memref<80x128xf32, #tpu.memory_space<vmem>>, vector<1x16xf32>,
        %swap3A_225 = vector.shape_cast %swap3A_224 : vector<1x16xf32> to vector<16xf32>
        %swap3A_226 = vector.shape_cast %add3A_222 : vector<16xf32> to vector<1x16xf32>
        tpu.vector_store %arg12[%swap3A, %swap3A_223], %swap3A_226 {strides = array<i32>} : memref<80x128xf32, #tpu.memory_space<vmem>>, vector<1x16xf32>,
        %get3A_227 = arith.index_cast %scan3A_209 : i32 to index
        %get3A_228 = arith.constant 16 : index
        %get3A_229 = tpu.vector_load %arg12[%get3A_227, %get3A_228] {strides = array<i32>} : memref<80x128xf32, #tpu.memory_space<vmem>>, vector<1x16xf32>,
        %get3A_230 = vector.shape_cast %get3A_229 : vector<1x16xf32> to vector<16xf32>
        %mul3A_231 = arith.constant 11.3137083 : f32
        %mul3A_232 = vector.broadcast %mul3A_231 : f32 to vector<16xf32>
        %mul3A_233 = arith.mulf %get3A_230, %mul3A_232 : vector<16xf32>
        %add3A_234 = arith.constant 120 : i32
        %add3A_235 = arith.addi %add3A_234, %scan3A_209 : i32
        %get3A_236 = arith.index_cast %add3A_235 : i32 to index
        %get3A_237 = arith.constant 16 : index
        %get3A_238 = tpu.vector_load %arg7[%get3A_236, %get3A_237] {strides = array<i32>} : memref<240x128xf32, #tpu.memory_space<vmem>>, vector<1x16xf32>,
        %get3A_239 = vector.shape_cast %get3A_238 : vector<1x16xf32> to vector<16xf32>
        %add3A_240 = arith.addf %mul3A_233, %get3A_239 : vector<16xf32>
        %swap3A_241 = arith.index_cast %scan3A_209 : i32 to index
        %swap3A_242 = arith.constant 16 : index
        %swap3A_243 = tpu.vector_load %arg12[%swap3A_241, %swap3A_242] {strides = array<i32>} : memref<80x128xf32, #tpu.memory_space<vmem>>, vector<1x16xf32>,
        %swap3A_244 = vector.shape_cast %swap3A_243 : vector<1x16xf32> to vector<16xf32>
        %swap3A_245 = vector.shape_cast %add3A_240 : vector<16xf32> to vector<1x16xf32>
        tpu.vector_store %arg12[%swap3A_241, %swap3A_242], %swap3A_245 {strides = array<i32>} : memref<80x128xf32, #tpu.memory_space<vmem>>, vector<1x16xf32>,
        %get3A_246 = arith.index_cast %scan3A_209 : i32 to index
        %get3A_247 = arith.constant 32 : index
        %get3A_248 = tpu.vector_load %arg12[%get3A_246, %get3A_247] {strides = array<i32>} : memref<80x128xf32, #tpu.memory_space<vmem>>, vector<1x16xf32>,
        %get3A_249 = vector.shape_cast %get3A_248 : vector<1x16xf32> to vector<16xf32>
        %mul3A_250 = arith.constant 11.3137083 : f32
        %mul3A_251 = vector.broadcast %mul3A_250 : f32 to vector<16xf32>
        %mul3A_252 = arith.mulf %get3A_249, %mul3A_251 : vector<16xf32>
        %add3A_253 = arith.constant 120 : i32
        %add3A_254 = arith.addi %add3A_253, %scan3A_209 : i32
        %get3A_255 = arith.index_cast %add3A_254 : i32 to index
        %get3A_256 = arith.constant 32 : index
        %get3A_257 = tpu.vector_load %arg7[%get3A_255, %get3A_256] {strides = array<i32>} : memref<240x128xf32, #tpu.memory_space<vmem>>, vector<1x16xf32>,
        %get3A_258 = vector.shape_cast %get3A_257 : vector<1x16xf32> to vector<16xf32>
        %add3A_259 = arith.addf %mul3A_252, %get3A_258 : vector<16xf32>
        %swap3A_260 = arith.index_cast %scan3A_209 : i32 to index
        %swap3A_261 = arith.constant 32 : index
        %swap3A_262 = tpu.vector_load %arg12[%swap3A_260, %swap3A_261] {strides = array<i32>} : memref<80x128xf32, #tpu.memory_space<vmem>>, vector<1x16xf32>,
        %swap3A_263 = vector.shape_cast %swap3A_262 : vector<1x16xf32> to vector<16xf32>
        %swap3A_264 = vector.shape_cast %add3A_259 : vector<16xf32> to vector<1x16xf32>
        tpu.vector_store %arg12[%swap3A_260, %swap3A_261], %swap3A_264 {strides = array<i32>} : memref<80x128xf32, #tpu.memory_space<vmem>>, vector<1x16xf32>,
        %get3A_265 = arith.index_cast %scan3A_209 : i32 to index
        %get3A_266 = arith.constant 48 : index
        %get3A_267 = tpu.vector_load %arg12[%get3A_265, %get3A_266] {strides = array<i32>} : memref<80x128xf32, #tpu.memory_space<vmem>>, vector<1x16xf32>,
        %get3A_268 = vector.shape_cast %get3A_267 : vector<1x16xf32> to vector<16xf32>
        %mul3A_269 = arith.constant 11.3137083 : f32
        %mul3A_270 = vector.broadcast %mul3A_269 : f32 to vector<16xf32>
        %mul3A_271 = arith.mulf %get3A_268, %mul3A_270 : vector<16xf32>
        %add3A_272 = arith.constant 120 : i32
        %add3A_273 = arith.addi %add3A_272, %scan3A_209 : i32
        %get3A_274 = arith.index_cast %add3A_273 : i32 to index
        %get3A_275 = arith.constant 48 : index
        %get3A_276 = tpu.vector_load %arg7[%get3A_274, %get3A_275] {strides = array<i32>} : memref<240x128xf32, #tpu.memory_space<vmem>>, vector<1x16xf32>,
        %get3A_277 = vector.shape_cast %get3A_276 : vector<1x16xf32> to vector<16xf32>
        %add3A_278 = arith.addf %mul3A_271, %get3A_277 : vector<16xf32>
        %swap3A_279 = arith.index_cast %scan3A_209 : i32 to index
        %swap3A_280 = arith.constant 48 : index
        %swap3A_281 = tpu.vector_load %arg12[%swap3A_279, %swap3A_280] {strides = array<i32>} : memref<80x128xf32, #tpu.memory_space<vmem>>, vector<1x16xf32>,
        %swap3A_282 = vector.shape_cast %swap3A_281 : vector<1x16xf32> to vector<16xf32>
        %swap3A_283 = vector.shape_cast %add3A_278 : vector<16xf32> to vector<1x16xf32>
        tpu.vector_store %arg12[%swap3A_279, %swap3A_280], %swap3A_283 {strides = array<i32>} : memref<80x128xf32, #tpu.memory_space<vmem>>, vector<1x16xf32>,
        %get3A_284 = arith.index_cast %scan3A_209 : i32 to index
        %get3A_285 = arith.constant 64 : index
        %get3A_286 = tpu.vector_load %arg12[%get3A_284, %get3A_285] {strides = array<i32>} : memref<80x128xf32, #tpu.memory_space<vmem>>, vector<1x16xf32>,
        %get3A_287 = vector.shape_cast %get3A_286 : vector<1x16xf32> to vector<16xf32>
        %mul3A_288 = arith.constant 11.3137083 : f32
        %mul3A_289 = vector.broadcast %mul3A_288 : f32 to vector<16xf32>
        %mul3A_290 = arith.mulf %get3A_287, %mul3A_289 : vector<16xf32>
        %add3A_291 = arith.constant 120 : i32
        %add3A_292 = arith.addi %add3A_291, %scan3A_209 : i32
        %get3A_293 = arith.index_cast %add3A_292 : i32 to index
        %get3A_294 = arith.constant 64 : index
        %get3A_295 = tpu.vector_load %arg7[%get3A_293, %get3A_294] {strides = array<i32>} : memref<240x128xf32, #tpu.memory_space<vmem>>, vector<1x16xf32>,
        %get3A_296 = vector.shape_cast %get3A_295 : vector<1x16xf32> to vector<16xf32>
        %add3A_297 = arith.addf %mul3A_290, %get3A_296 : vector<16xf32>
        %swap3A_298 = arith.index_cast %scan3A_209 : i32 to index
        %swap3A_299 = arith.constant 64 : index
        %swap3A_300 = tpu.vector_load %arg12[%swap3A_298, %swap3A_299] {strides = array<i32>} : memref<80x128xf32, #tpu.memory_space<vmem>>, vector<1x16xf32>,
        %swap3A_301 = vector.shape_cast %swap3A_300 : vector<1x16xf32> to vector<16xf32>
        %swap3A_302 = vector.shape_cast %add3A_297 : vector<16xf32> to vector<1x16xf32>
        tpu.vector_store %arg12[%swap3A_298, %swap3A_299], %swap3A_302 {strides = array<i32>} : memref<80x128xf32, #tpu.memory_space<vmem>>, vector<1x16xf32>,
        %get3A_303 = arith.index_cast %scan3A_209 : i32 to index
        %get3A_304 = arith.constant 80 : index
        %get3A_305 = tpu.vector_load %arg12[%get3A_303, %get3A_304] {strides = array<i32>} : memref<80x128xf32, #tpu.memory_space<vmem>>, vector<1x16xf32>,
        %get3A_306 = vector.shape_cast %get3A_305 : vector<1x16xf32> to vector<16xf32>
        %mul3A_307 = arith.constant 11.3137083 : f32
        %mul3A_308 = vector.broadcast %mul3A_307 : f32 to vector<16xf32>
        %mul3A_309 = arith.mulf %get3A_306, %mul3A_308 : vector<16xf32>
        %add3A_310 = arith.constant 120 : i32
        %add3A_311 = arith.addi %add3A_310, %scan3A_209 : i32
        %get3A_312 = arith.index_cast %add3A_311 : i32 to index
        %get3A_313 = arith.constant 80 : index
        %get3A_314 = tpu.vector_load %arg7[%get3A_312, %get3A_313] {strides = array<i32>} : memref<240x128xf32, #tpu.memory_space<vmem>>, vector<1x16xf32>,
        %get3A_315 = vector.shape_cast %get3A_314 : vector<1x16xf32> to vector<16xf32>
        %add3A_316 = arith.addf %mul3A_309, %get3A_315 : vector<16xf32>
        %swap3A_317 = arith.index_cast %scan3A_209 : i32 to index
        %swap3A_318 = arith.constant 80 : index
        %swap3A_319 = tpu.vector_load %arg12[%swap3A_317, %swap3A_318] {strides = array<i32>} : memref<80x128xf32, #tpu.memory_space<vmem>>, vector<1x16xf32>,
        %swap3A_320 = vector.shape_cast %swap3A_319 : vector<1x16xf32> to vector<16xf32>
        %swap3A_321 = vector.shape_cast %add3A_316 : vector<16xf32> to vector<1x16xf32>
        tpu.vector_store %arg12[%swap3A_317, %swap3A_318], %swap3A_321 {strides = array<i32>} : memref<80x128xf32, #tpu.memory_space<vmem>>, vector<1x16xf32>,
        %get3A_322 = arith.index_cast %scan3A_209 : i32 to index
        %get3A_323 = arith.constant 96 : index
        %get3A_324 = tpu.vector_load %arg12[%get3A_322, %get3A_323] {strides = array<i32>} : memref<80x128xf32, #tpu.memory_space<vmem>>, vector<1x16xf32>,
        %get3A_325 = vector.shape_cast %get3A_324 : vector<1x16xf32> to vector<16xf32>
        %mul3A_326 = arith.constant 11.3137083 : f32
        %mul3A_327 = vector.broadcast %mul3A_326 : f32 to vector<16xf32>
        %mul3A_328 = arith.mulf %get3A_325, %mul3A_327 : vector<16xf32>
        %add3A_329 = arith.constant 120 : i32
        %add3A_330 = arith.addi %add3A_329, %scan3A_209 : i32
        %get3A_331 = arith.index_cast %add3A_330 : i32 to index
        %get3A_332 = arith.constant 96 : index
        %get3A_333 = tpu.vector_load %arg7[%get3A_331, %get3A_332] {strides = array<i32>} : memref<240x128xf32, #tpu.memory_space<vmem>>, vector<1x16xf32>,
        %get3A_334 = vector.shape_cast %get3A_333 : vector<1x16xf32> to vector<16xf32>
        %add3A_335 = arith.addf %mul3A_328, %get3A_334 : vector<16xf32>
        %swap3A_336 = arith.index_cast %scan3A_209 : i32 to index
        %swap3A_337 = arith.constant 96 : index
        %swap3A_338 = tpu.vector_load %arg12[%swap3A_336, %swap3A_337] {strides = array<i32>} : memref<80x128xf32, #tpu.memory_space<vmem>>, vector<1x16xf32>,
        %swap3A_339 = vector.shape_cast %swap3A_338 : vector<1x16xf32> to vector<16xf32>
        %swap3A_340 = vector.shape_cast %add3A_335 : vector<16xf32> to vector<1x16xf32>
        tpu.vector_store %arg12[%swap3A_336, %swap3A_337], %swap3A_340 {strides = array<i32>} : memref<80x128xf32, #tpu.memory_space<vmem>>, vector<1x16xf32>,
        %get3A_341 = arith.index_cast %scan3A_209 : i32 to index
        %get3A_342 = arith.constant 112 : index
        %get3A_343 = tpu.vector_load %arg12[%get3A_341, %get3A_342] {strides = array<i32>} : memref<80x128xf32, #tpu.memory_space<vmem>>, vector<1x16xf32>,
        %get3A_344 = vector.shape_cast %get3A_343 : vector<1x16xf32> to vector<16xf32>
        %mul3A_345 = arith.constant 11.3137083 : f32
        %mul3A_346 = vector.broadcast %mul3A_345 : f32 to vector<16xf32>
        %mul3A_347 = arith.mulf %get3A_344, %mul3A_346 : vector<16xf32>
        %add3A_348 = arith.constant 120 : i32
        %add3A_349 = arith.addi %add3A_348, %scan3A_209 : i32
        %get3A_350 = arith.index_cast %add3A_349 : i32 to index
        %get3A_351 = arith.constant 112 : index
        %get3A_352 = tpu.vector_load %arg7[%get3A_350, %get3A_351] {strides = array<i32>} : memref<240x128xf32, #tpu.memory_space<vmem>>, vector<1x16xf32>,
        %get3A_353 = vector.shape_cast %get3A_352 : vector<1x16xf32> to vector<16xf32>
        %add3A_354 = arith.addf %mul3A_347, %get3A_353 : vector<16xf32>
        %swap3A_355 = arith.index_cast %scan3A_209 : i32 to index
        %swap3A_356 = arith.constant 112 : index
        %swap3A_357 = tpu.vector_load %arg12[%swap3A_355, %swap3A_356] {strides = array<i32>} : memref<80x128xf32, #tpu.memory_space<vmem>>, vector<1x16xf32>,
        %swap3A_358 = vector.shape_cast %swap3A_357 : vector<1x16xf32> to vector<16xf32>
        %swap3A_359 = vector.shape_cast %add3A_354 : vector<16xf32> to vector<1x16xf32>
        tpu.vector_store %arg12[%swap3A_355, %swap3A_356], %swap3A_359 {strides = array<i32>} : memref<80x128xf32, #tpu.memory_space<vmem>>, vector<1x16xf32>,
      }
      %scan3A_183 = arith.constant 80 : i32
      %mul3A_184 = arith.constant 80 : i32
      %mul3A_185 = arith.muli %add3A_171, %mul3A_184 : i32
      %add3A_186 = arith.addi %mul3A_10, %mul3A_185 : i32
      %dma_start3A_187 = arith.constant 0 : i32
      %dma_start3A_188 = tpu.memref_slice %arg5[%add3A_186, %dma_start3A_187] : memref<204800x128xf32, #tpu.memory_space<hbm>> -> memref<80x128xf32, #tpu.memory_space<hbm>>
      %dma_start3A_189 = arith.constant 0 : i32
      %dma_start3A_190 = tpu.memref_slice %arg5[%add3A_186, %dma_start3A_189] : memref<204800x128xf32, #tpu.memory_space<hbm>> -> memref<80x128xf32, #tpu.memory_space<hbm>>
      tpu.enqueue_dma source(%arg12 : memref<80x128xf32, #tpu.memory_space<vmem>>) target(%dma_start3A_190 : memref<80x128xf32, #tpu.memory_space<hbm>>) target_semaphore(%arg22 : memref<!tpu.dma_semaphore, #tpu.memory_space<semaphore_mem>>)
      %dma_wait3A_191 = arith.constant 0 : i32
      %dma_wait3A_192 = tpu.memref_slice %arg5[%add3A_154, %dma_wait3A_191] : memref<204800x128xf32, #tpu.memory_space<hbm>> -> memref<80x128xf32, #tpu.memory_space<hbm>>
      %dma_wait3A_193 = arith.constant 0 : i32
      %dma_wait3A_194 = tpu.memref_slice %arg5[%add3A_154, %dma_wait3A_193] : memref<204800x128xf32, #tpu.memory_space<hbm>> -> memref<80x128xf32, #tpu.memory_space<hbm>>
      tpu.wait_dma2 semaphore(%arg21 : memref<!tpu.dma_semaphore, #tpu.memory_space<semaphore_mem>>) src(%arg11 : memref<80x128xf32, #tpu.memory_space<vmem>>) dst(%dma_wait3A_194 : memref<80x128xf32, #tpu.memory_space<hbm>>)
      %lt3A_195 = arith.constant 15 : i32
      %lt3A_196 = arith.cmpi slt, %scan3A_51, %lt3A_195 : i32
      %convert_element_type3A_197 = arith.extui %lt3A_196 : i1 to i32
      %cond3A_198 = arith.constant 0 : i32
      %cond3A_199 = arith.cmpi ne, %convert_element_type3A_197, %cond3A_198 : i32
      scf.if %cond3A_199 {
        %add3A_209 = arith.constant 1 : i32
        %add3A_210 = arith.addi %scan3A_51, %add3A_209 : i32
        %mul3A_211 = arith.constant 5 : i32
        %mul3A_212 = arith.muli %add3A_210, %mul3A_211 : i32
        %add3A_213 = arith.constant 4 : i32
        %add3A_214 = arith.addi %mul3A_212, %add3A_213 : i32
        %sub3A = arith.constant 1 : i32
        %sub3A_215 = arith.subi %add3A_214, %sub3A : i32
        %dma_start3A_216 = arith.constant 0 : i32
        %dma_start3A_217 = tpu.memref_slice %arg6[%sub3A_215, %dma_start3A_216] : memref<80x80xi32, #tpu.memory_space<vmem>> -> memref<1x80xi32, #tpu.memory_space<vmem>>
        %dma_start3A_218 = tpu.memref_squeeze %dma_start3A_217 : memref<1x80xi32, #tpu.memory_space<vmem>> -> memref<80xi32, #tpu.memory_space<vmem>>
        %dma_start3A_219 = arith.constant 0 : i32
        %dma_start3A_220 = arith.constant 0 : i32
        %dma_start3A_221 = tpu.memref_slice %arg4[%dma_start3A_219, %dma_start3A_220] : memref<100000x128xf32, #tpu.memory_space<hbm>> -> memref<100000x128xf32, #tpu.memory_space<hbm>>
        tpu.enqueue_indirect_dma source(%dma_start3A_221 : memref<100000x128xf32, #tpu.memory_space<hbm>>) target(%arg11 : memref<80x128xf32, #tpu.memory_space<vmem>>) offsets(%dma_start3A_218 : memref<80xi32, #tpu.memory_space<vmem>>) semaphore(%arg16 : memref<!tpu.dma_semaphore, #tpu.memory_space<semaphore_mem>>)
      } else {
      }
      %dma_wait3A_200 = arith.constant 0 : i32
      %dma_wait3A_201 = tpu.memref_slice %arg5[%add3A_186, %dma_wait3A_200] : memref<204800x128xf32, #tpu.memory_space<hbm>> -> memref<80x128xf32, #tpu.memory_space<hbm>>
      %dma_wait3A_202 = arith.constant 0 : i32
      %dma_wait3A_203 = tpu.memref_slice %arg5[%add3A_186, %dma_wait3A_202] : memref<204800x128xf32, #tpu.memory_space<hbm>> -> memref<80x128xf32, #tpu.memory_space<hbm>>
      tpu.wait_dma2 semaphore(%arg22 : memref<!tpu.dma_semaphore, #tpu.memory_space<semaphore_mem>>) src(%arg12 : memref<80x128xf32, #tpu.memory_space<vmem>>) dst(%dma_wait3A_203 : memref<80x128xf32, #tpu.memory_space<hbm>>)
      %lt3A_204 = arith.constant 15 : i32
      %lt3A_205 = arith.cmpi slt, %scan3A_51, %lt3A_204 : i32
      %convert_element_type3A_206 = arith.extui %lt3A_205 : i1 to i32
      %cond3A_207 = arith.constant 0 : i32
      %cond3A_208 = arith.cmpi ne, %convert_element_type3A_206, %cond3A_207 : i32
      scf.if %cond3A_208 {
        %add3A_209 = arith.constant 1 : i32
        %add3A_210 = arith.addi %scan3A_51, %add3A_209 : i32
        %mul3A_211 = arith.constant 5 : i32
        %mul3A_212 = arith.muli %add3A_210, %mul3A_211 : i32
        %add3A_213 = arith.constant 5 : i32
        %add3A_214 = arith.addi %mul3A_212, %add3A_213 : i32
        %sub3A = arith.constant 1 : i32
        %sub3A_215 = arith.subi %add3A_214, %sub3A : i32
        %dma_start3A_216 = arith.constant 0 : i32
        %dma_start3A_217 = tpu.memref_slice %arg6[%sub3A_215, %dma_start3A_216] : memref<80x80xi32, #tpu.memory_space<vmem>> -> memref<1x80xi32, #tpu.memory_space<vmem>>
        %dma_start3A_218 = tpu.memref_squeeze %dma_start3A_217 : memref<1x80xi32, #tpu.memory_space<vmem>> -> memref<80xi32, #tpu.memory_space<vmem>>
        %dma_start3A_219 = arith.constant 0 : i32
        %dma_start3A_220 = arith.constant 0 : i32
        %dma_start3A_221 = tpu.memref_slice %arg4[%dma_start3A_219, %dma_start3A_220] : memref<100000x128xf32, #tpu.memory_space<hbm>> -> memref<100000x128xf32, #tpu.memory_space<hbm>>
        tpu.enqueue_indirect_dma source(%dma_start3A_221 : memref<100000x128xf32, #tpu.memory_space<hbm>>) target(%arg12 : memref<80x128xf32, #tpu.memory_space<vmem>>) offsets(%dma_start3A_218 : memref<80xi32, #tpu.memory_space<vmem>>) semaphore(%arg17 : memref<!tpu.dma_semaphore, #tpu.memory_space<semaphore_mem>>)
      } else {
      }
    }
    %scan3A_50 = arith.constant 16 : i32
    return
  }
}

</mosaic_0001>

<sc_bundles>
// kernel: kernel.3.cloned.1.call-start
scs
__scs_entry_jumppad:
0x0: {  	(pc) =	sbr.rel $0x88, $3  }
0x1: {  	(tag) =	ssettag $0x0;
	lr =	simm.s32 $0x1  }
0x2: {  	[smem:$0x3F9F] =	sst lr;
	_ =	strace $0xD0000000  }
0x3: {  	_ = 	snop  }
0x4: {  	_ = 	snop  }
0x5: {  	_ = 	snop  }
0x6: {  	_ = 	snop  }
0x7: {  	_ = 	snop  }
__scs_overlays_trampoline_lowered:
0x8: {  	[smem:$0x3FAE] =	sst s0  }
0x9: {  	[smem:$0x3FAF] =	sst s1  }
0xa: {  	[smem:$0x3FB0] =	sst s2  }
0xb: {  	[smem:$0x3FB1] =	sst s3  }
0xc: {  	[smem:$0x3FB2] =	sst s4  }
0xd: {  	[smem:$0x3FB3] =	sst s5  }
0xe: {  	[smem:$0x3FB4] =	sst s6  }
0xf: {  	[smem:$0x3FB5] =	sst s7  }
0x10: {  	[smem:$0x3FB6] =	sst s8  }
0x11: {  	[smem:$0x3FB7] =	sst s9;
	s0 =	simm.s32 @!p0 $0x0  }
0x12: {  	s1 =	sld [smem:$0x3F9D];
	s0 =	simm.s32 @p0 $0x1  }
0x13: {  	[smem:$0x3FB8] =	sst s0;
	s0 =	simm.s32 @!p1 $0x0  }
0x14: {  	s2 =	sld [smem:$0x3F9C];
	s0 =	simm.s32 @p1 $0x1  }
0x15: {  	[smem:$0x3FB9] =	sst s0;
	s0 =	simm.s32 @!p2 $0x0  }
0x16: {  	s3 =	sld [smem:$0x3FDB];
	s0 =	simm.s32 @p2 $0x1  }
0x17: {  	s4 =	simm.s32 $0x1BF5;
	[smem:$0x3FBB] =	sst s0  }
0x18: {  	s0 =	sld [smem:$0x3F9E];
	_ =	swait.ge [sflag:s4], $0x0  }
0x19: {  	s7 =	sld [smem:$0x3F9F]  }
0x1a: {  	s8 =	sadd.s32 $0xFFFFE003, lr  }
0x1b: {  	s9 =	sadd.s32 $0xFFFFFEF7, lr;
	s5 =	simm.s32 $0xFFFFFFFF;
	p2 =	slt.u32 s8, $0xFFFFF086  }
0x1c: {  	p1 =	slt.u32 s9, $0xF7A;
	s5 =	simm.s32 @!p2 $0x0  }
0x1d: {  	s5 =	simm.s32 @p1 $0x1;
	p0 =	seq.s32 s7, s2  }
0x1e: {  	s7 =	smul.u32 @!p0 $0xF7A, s2;
	p2 =	seq.s32 @!p0 s5, $0x0  }
0x1f: {  	s9 =	smul.u32 $0xF7A, s1;
	s8 =	simm.s32 @!p0 $0x1BF5;
	p2 =	por !p2, p0  }
0x20: {  	[sflag:s8] =	ssyncset.s32 @!p0 $0xFFFFF086;
	s6 =	sadd.s32 @!p0 s3, s7;
	s7 =	simm.s32 @!p0 $0x108  }
0x21: {  	s3 =	sadd.s32 s3, s9;
	s6 =	sadd.s32 @!p0 $0x88, s6;
	s7 =	simm.s32 @p2 $0x1082  }
0x22: {  	[simem:s7], [sflag:s8] =	dma.local @!p0 [hbm:s6], $0xF7A  }
0x23: {  	s9 =	sor.u32 $0xD0000000, s2;
	s6 =	simm.s32 $0x108;
	_ =	swait.ge @!p0 [sflag:s8], $0x0  }
0x24: {  	s3 =	sadd.s32 $0x88, s3;
	s6 =	simm.s32 @!p1 $0x1082;
	[sflag:s4] =	ssyncset.s32 $0xFFFFF086  }
0x25: {  	[simem:s6], [sflag:s4] =	dma.local [hbm:s3], $0xF7A  }
0x26: {  	[smem:$0x3F9F] =	sst s1;
	(tag) =	ssettag s2;
	_ =	strace s9  }
0x27: {  	s1 =	sld [smem:$0x3FAF]  }
0x28: {  	s2 =	sld [smem:$0x3FB0]  }
0x29: {  	s4 =	sld [smem:$0x3FB2]  }
0x2a: {  	p0 =	seq.s32 s5, $0x0;
	s5 =	sld [smem:$0x3FB3]  }
0x2b: {  	s6 =	sld [smem:$0x3FB4]  }
0x2c: {  	s7 =	sld [smem:$0x3FB5]  }
0x2d: {  	s3 =	simm.s32 $0x108;
	s8 =	sld [smem:$0x3FB6]  }
0x2e: {  	s3 =	simm.s32 @!p0 $0x1082;
	s9 =	sld [smem:$0x3FB7]  }
0x2f: {  	lr =	sadd.s32 s0, s3;
	s0 =	sld [smem:$0x3FAE]  }
0x30: {  	s3 =	sld [smem:$0x3FB1]  }
0x31: {  	[smem:$0x3FBA] =	sst s10  }
0x32: {  	s10 =	sld [smem:$0x3FB8];
	_ =	sdelay $0x3  }
0x33: {  	p0 =	seq.s32 s10, $0x1;
	s10 =	sld [smem:$0x3FBA];
	_ =	sdelay $0x3  }
0x34: {  	[smem:$0x3FBA] =	sst s10  }
0x35: {  	s10 =	sld [smem:$0x3FB9];
	_ =	sdelay $0x3  }
0x36: {  	p1 =	seq.s32 s10, $0x1;
	s10 =	sld [smem:$0x3FBA];
	_ =	sdelay $0x3  }
0x37: {  	[smem:$0x3FBA] =	sst s10  }
0x38: {  	s10 =	sld [smem:$0x3FBB]  }
0x39: {  	_ = 	snop;
	(pc) =	sbr.ind lr, $3  }
0x3a: {  	_ = 	snop  }
0x3b: {  	_ = 	snop  }
0x3c: {  	p2 =	seq.s32 s10, $0x1;
	s10 =	sld [smem:$0x3FBA]  }
0x3d: {  	_ =	shalt  }
0x3e: {  	_ =	shalt  }
0x3f: {  	_ =	shalt  }
0x40: {  	_ =	shalt  }
0x41: {  	_ =	shalt  }
0x42: {  	_ =	shalt  }
0x43: {  	_ =	shalt  }
0x44: {  	_ =	shalt  }
0x45: {  	_ =	shalt  }
0x46: {  	_ =	shalt  }
0x47: {  	_ =	shalt  }
0x48: {  	_ =	shalt  }
0x49: {  	_ =	shalt  }
0x4a: {  	_ =	shalt  }
0x4b: {  	_ =	shalt  }
0x4c: {  	_ =	shalt  }
0x4d: {  	_ =	shalt  }
0x4e: {  	_ =	shalt  }
0x4f: {  	_ =	shalt  }
0x50: {  	_ =	shalt  }
0x51: {  	_ =	shalt  }
0x52: {  	_ =	shalt  }
0x53: {  	_ =	shalt  }
0x54: {  	_ =	shalt  }
0x55: {  	_ =	shalt  }
0x56: {  	_ =	shalt  }
0x57: {  	_ =	shalt  }
0x58: {  	_ =	shalt  }
0x59: {  	_ =	shalt  }
0x5a: {  	_ =	shalt  }
0x5b: {  	_ =	shalt  }
0x5c: {  	_ =	shalt  }
0x5d: {  	_ =	shalt  }
0x5e: {  	_ =	shalt  }
0x5f: {  	_ =	shalt  }
0x60: {  	_ =	shalt  }
0x61: {  	_ =	shalt  }
0x62: {  	_ =	shalt  }
0x63: {  	_ =	shalt  }
0x64: {  	_ =	shalt  }
0x65: {  	_ =	shalt  }
0x66: {  	_ =	shalt  }
0x67: {  	_ =	shalt  }
0x68: {  	_ =	shalt  }
0x69: {  	_ =	shalt  }
0x6a: {  	_ =	shalt  }
0x6b: {  	_ =	shalt  }
0x6c: {  	_ =	shalt  }
0x6d: {  	_ =	shalt  }
0x6e: {  	_ =	shalt  }
0x6f: {  	_ =	shalt  }
0x70: {  	_ =	shalt  }
0x71: {  	_ =	shalt  }
0x72: {  	_ =	shalt  }
0x73: {  	_ =	shalt  }
0x74: {  	_ =	shalt  }
0x75: {  	_ =	shalt  }
0x76: {  	_ =	shalt  }
0x77: {  	_ =	shalt  }
0x78: {  	_ =	shalt  }
0x79: {  	_ =	shalt  }
0x7a: {  	_ =	shalt  }
0x7b: {  	_ =	shalt  }
0x7c: {  	_ =	shalt  }
0x7d: {  	_ =	shalt  }
0x7e: {  	_ =	shalt  }
0x7f: {  	_ =	shalt  }
0x80: {  	_ =	shalt  }
0x81: {  	_ =	shalt  }
0x82: {  	_ =	shalt  }
0x83: {  	_ =	shalt  }
0x84: {  	_ =	shalt  }
0x85: {  	_ =	shalt  }
0x86: {  	_ =	shalt  }
0x87: {  	_ =	shalt  }
.Lfunc_end0:
.L_simem_size_0:
called_computation_lowered:
.L_overlay_start_0:
0x88: {  	s2 =	sld [smem:$0x3FD9]  }
0x89: {  	s3 =	sld [smem:$0x3FFE];
	_ =	sdelay $0x1  }
0x8a: {  	s1 =	srdreg.scid  }
0x8b: {  	s0 =	sand.u32 $0x1, s1  }
0x8c: {  	s17 =	sshll.u32 s0, $0xA;
	s2 =	sadd.s32 s3, s2  }
0x8d: {  	s2 =	sadd.s32 s2, s17  }
0x8e: {  	[smem:$0x3FC6] =	sst s2  }
0x8f: {  	_ = 	snop  }
0x90: {  	s2 =	sld [smem:$0x3FC8]  }
0x91: {  	s18 =	sld [smem:$0x3FD0];
	(tm) =	ssettm $0x1  }
0x92: {  	s4 =	sld [smem:$0x3FFB];
	_ =	sdelay $0x3  }
0x93: {  	_ =	strace s4  }
0x94: {  	s4 =	sld [smem:$0x3FFC];
	_ =	sdelay $0x3  }
0x95: {  	_ =	strace s4  }
0x96: {  	s4 =	sld [smem:$0x3FFD];
	_ =	sdelay $0x3  }
0x97: {  	_ =	strace s4  }
0x98: {  	_ =	strace $0x8FFFFFFF  }
0x99: {  	s19 =	sld [smem:$0x3FDB];
	_ =	sdelay $0x1  }
0x9a: {  	s5 =	simm.s32 $_scs_section_size  }
0x9b: {  	s6 =	simm.s32 $_size__tile_overlayer_lowered;
	s7 =	simm.s32 $_tile_overlayer_lowered  }
0x9c: {  	s22 =	simm.s32 $0x1BFF;
	s21 =	sshll.u32 s7, $0x1;
	s4 =	sadd.s32 s5, s19  }
0x9d: {  	s8 =	simm.s32 $0x0;
	s20 =	sshll.u32 s6, $0x1;
	s6 =	sadd.s32 s21, s4  }
0x9e: {  	[timem:s8], [sflag:s22] =	dma.local [hbm:s6], s20  }
0x9f: {  	_ =	swait.ge [sflag:s22], s20  }
0xa0: {  	s5 =	ssub.s32 $0x0, s20;
	[sflag:s22] =	ssyncset.done $0x0  }
0xa1: {  	[sflag:s22] =	ssyncadd.s32 s5;
	_ =	sdelay $0x1  }
0xa2: {  	s23 =	simm.s32 $0x1B8B  }
0xa3: {  	_ =	swait.ge [sflag:s23], $0x1  }
0xa4: {  	[sflag:s23] =	ssyncset.done $0x0  }
0xa5: {  	s25 =	simm.s32 $0x1B8E;
	s24 =	sld [smem:$0x3FFE];
	[sflag:s23] =	ssyncadd.s32 $0xFFFFFFFF  }
0xa6: {  	s26 =	simm.s32 $execute0_lowered;
	[smem:$0x3FD2] =	sst s25  }
0xa7: {  	s6 =	sshll.u32 s26, $0x1;
	_ =	strace $0x80000046;
	[dreg:$0x1] =	wrdreg $0xFFFFFFFF  }
0xa8: {  	s28 =	simm.s32 $_size_execute0_lowered;
	s4 =	sadd.s32 s4, s6;
	[dreg:$0x0] =	wrdreg $0x0  }
0xa9: {  	s6 =	sshll.u32 s28, $0x1;
	[dreg:$0x2] =	wrdreg s4  }
0xaa: {  	[dreg:$0x3] =	wrdreg s6  }
0xab: {  	[dreg:$0x4] =	wrdreg $0xC0  }
0xac: {  	_ =	task [dreg:s8], $0x5FFFF  }
0xad: {  	[dreg:$0x1] =	wrdreg $0xFFFFFFFF  }
0xae: {  	[dreg:$0x0] =	wrdreg $0x60  }
0xaf: {  	[dreg:$0x2] =	wrdreg s24  }
0xb0: {  	[dreg:$0x3] =	wrdreg s2  }
0xb1: {  	[dreg:$0x4] =	wrdreg s18  }
0xb2: {  	[dreg:$0x5] =	wrdreg $0x9  }
0xb3: {  	_ =	task.clear_ibuf [dreg:s8], $0x6FFFF;
	_ =	strace $0x90000046  }
0xb4: {  	s29 =	simm.s32 $0x9;
	_ =	strace $0x80000048  }
0xb5: {  	_ =	swait.ge [sflag:s29], $0x1  }
0xb6: {  	[sflag:s29] =	ssyncadd.s32 $0xFFFFFFFF  }
0xb7: {  	_ =	strace $0x90000048  }
0xb8: {  	_ =	sfence  }
0xb9: {  	s30 =	sld [smem:$0x0];
	_ =	sdelay $0x2  }
0xba: {  	s31 =	sshll.u32 s1, $0xD;
	s1 =	sshrl.u32 s1, $0x2  }
0xbb: {  	s3 =	sand.u32 $0x4000, s31;
	s1 =	sadd.s32 s1, s30  }
0xbc: {  	s0 =	sor.u32 s3, s0;
	s1 =	sshll.u32 s1, $0x11  }
0xbd: {  	s0 =	sor.u32 s1, s0  }
0xbe: {  	s0 =	sadd.s32 $0x8F2B, s0  }
0xbf: {  	[sflag:s0] =	ssyncadd.remote.s32 $0x1  }
0xc0: {  	_ =	sfence.sel $0xFFFF  }
0xc1: {  	[dreg:$0x0] =	wrdreg $0xFFFFFFFF;
	(pc) =	sbr.abs _section_cstart, $3  }
0xc2: {  	[dreg:$0x1] =	wrdreg $0xFFFFFFFF  }
0xc3: {  	_ =	task.clear_ibuf [dreg:s8], $0x2FFFF;
	_ =	strace $0x9FFFFFFF  }
0xc4: {  	(tm) =	ssettm $0x7FFFFFFF  }
0xc5: {  	_ =	shalt  }
tec
execute0_lowered:
.L_overlay_start_1:
0x0: {  	(tag) =	ssettag $0x1  }
0x1: {  	s6 =	rddreg [dreg:$0x0];
	s0 =	srdreg.scid  }
0x2: {  	s1 =	stileid.u32;
	s3 =	rddreg [dreg:$0x1]  }
0x3: {  	s4 =	rddreg [dreg:$0x2];
	s5 =	simm.s32 $0x0;
	s14 =	simm.s32 $0x1  }
0x4: {  	s15 =	simm.s32 $0x50;
	s16 =	simm.s32 $0xA000;
	s18 =	simm.s32 $0xC800  }
0x5: {  	s20 =	simm.s32 $0xF000;
	s22 =	simm.s32 $0x11800;
	s24 =	simm.s32 $0x14000  }
0x6: {  	s25 =	simm.s32 $0x6;
	s0 =	sand.u32 $0x1, s0;
	s1 =	sshll.u32 s1, $0x1  }
0x7: {  	s28 =	simm.s32 $0x3;
	s29 =	simm.s32 $0x7;
	s1 =	sor.u32 s0, s1  }
0x8: {  	s30 =	simm.s32 $0x4;
	s31 =	simm.s32 $0x8;
	s2 =	smul.u32 $0x500, s1  }
0x9: {  	s13 =	simm.s32 $0x0;
	[smem:$0x7FF] =	sst s5;
	s0 =	ssub.s32 $0x2, s0  }
0xa: {  	s7 =	sshrl.u32 s0, $0x1;
	s2 =	sadd.s32 s2, s6;
	s6 =	smul.u32 $0x1900, s1  }
.Ltmp0:
0xb: {  	_ =	strace $0x80000047;
	s0 =	ssub.s32 s0, s7;
	(pc) =	sbr.rel .LBB2_1-.Ltmp0, $4  }
0xc: {  	s0 =	smax.u32 s0, $0x1;
	s1 =	simm.s32 $0xA;
	s26 =	sadd.s32 $0x1000, s2  }
0xd: {  	[dreg:$0x5] =	wrdreg s0;
	s2 =	simm.s32 $0x5;
	s0 =	simm.s32 $0x9  }
0xe: {  	[dreg:$0x4] =	wrdreg s26;
	s8 =	sor.u32 $0x50, s6;
	s9 =	sor.u32 $0xA0, s6  }
0xf: {  	s10 =	sor.u32 $0xF0, s6;
	s11 =	sadd.s32 $0x140, s6;
	s26 =	simm.s32 $0x2  }
.LBB2_14:
0x10: {  	_ =	swait.ge [sflag:s1], $0x2800  }
0x11: {  	s13 =	sadd.s32 $0x1, s13;
	s7 =	rddreg [dreg:$0x5]  }
0x12: {  	p0 =	sne.s32 s13, s7  }
.Ltmp1:
0x13: {  	_ = 	snop;
	(pc) =	sbr.rel @!p0 .LBB2_15-.Ltmp1, $3  }
0x14: {  	_ =	sdelay $0x1  }
0x15: {  	[sflag:s1] =	ssyncset.done $0x0  }
0x16: {  	[sflag:s1] =	ssyncadd.s32 $0xFFFFD800  }
.LBB2_1:
0x17: {  	s7 =	rddreg [dreg:$0x4]  }
0x18: {  	[tilespmem:s5], [sflag:$0x1] =	stream.linear.gather [hbm4b:s7+s5], $0x2800, $0x38;
	[tilespmem:$0x16800] =	vst v63  }
0x19: {  	s23 =	rddreg [dreg:$0x0];
	s12 =	simm.s32 $0x2800  }
0x1a: {  	[tilespmem:s12], [sflag:$0x6] =	stream.linear.gather [hbm4b:s23+s5], $0x7800, $0x38;
	[tilespmem:$0x16800] =	vst v63  }
0x1b: {  	_ =	swait.ge [sflag:s14], $0x2800  }
0x1c: {  	[sflag:s14] =	ssyncset.done $0x0  }
0x1d: {  	[sflag:s14] =	ssyncadd.s32 $0xFFFFD800  }
0x1e: {  	[tilespmem:s16], [sflag:$0x1] =	stream.indirect.gather [hbm4b:s3+s15], $0x80, s5, s15, $0xb8;
	[tilespmem:$0x16800] =	vst v63  }
0x1f: {  	s17 =	simm.s32 $0x80  }
0x20: {  	[tilespmem:s18], [sflag:$0x2] =	stream.indirect.gather [hbm4b:s3+s15], $0x80, s17, s15, $0xb8;
	[tilespmem:$0x16800] =	vst v63  }
0x21: {  	s19 =	simm.s32 $0x100  }
0x22: {  	[tilespmem:s20], [sflag:$0x3] =	stream.indirect.gather [hbm4b:s3+s15], $0x80, s19, s15, $0xb8;
	[tilespmem:$0x16800] =	vst v63  }
0x23: {  	s21 =	simm.s32 $0x180  }
0x24: {  	[tilespmem:s22], [sflag:$0x4] =	stream.indirect.gather [hbm4b:s3+s15], $0x80, s21, s15, $0xb8;
	[tilespmem:$0x16800] =	vst v63  }
0x25: {  	s23 =	simm.s32 $0x200  }
0x26: {  	[tilespmem:s24], [sflag:$0x5] =	stream.indirect.gather [hbm4b:s3+s15], $0x80, s23, s15, $0xb8;
	[tilespmem:$0x16800] =	vst v63  }
0x27: {  	_ =	swait.ge [sflag:s25], $0x7800  }
0x28: {  	[sflag:s25] =	ssyncset.done $0x0  }
0x29: {  	s17 =	simm.s32 $0x0;
	[sflag:s25] =	ssyncadd.s32 $0xFFFF8800  }
.LBB2_2:
0x2a: {  	_ =	swait.ge [sflag:s14], $0x2800  }
0x2b: {  	[sflag:s14] =	ssyncset.done $0x0  }
0x2c: {  	s21 =	simm.s32 $0x0;
	[sflag:s14] =	ssyncadd.s32 $0xFFFFD800  }
0x2d: {  	v5 =	vld [tilespmem:s21+$0x2800]  }
0x2e: {  	v4 =	vld [tilespmem:s21+$0x2810]  }
0x2f: {  	v3 =	vld [tilespmem:s21+$0x2820]  }
0x30: {  	v2 =	vld [tilespmem:s21+$0x2830]  }
0x31: {  	v1 =	vld [tilespmem:s21+$0x2840]  }
0x32: {  	v0 =	vld [tilespmem:s21+$0x2850]  }
0x33: {  	v6 =	vld [tilespmem:s21+$0xA000]  }
0x34: {  	v11 =	vld [tilespmem:s21+$0xA010]  }
0x35: {  	v10 =	vld [tilespmem:s21+$0xA020]  }
0x36: {  	v9 =	vld [tilespmem:s21+$0xA030]  }
0x37: {  	v8 =	vld [tilespmem:s21+$0xA040]  }
0x38: {  	v7 =	vld [tilespmem:s21+$0xA050];
	v12 =	vmul.f32 $1.131370830e+01, v6  }
0x39: {  	s19 =	simm.s32 $0x200;
	v11 =	vmul.f32 $1.131370830e+01, v11;
	v6 =	vld [tilespmem:s21+$0xA060]  }
.LBB2_3:
0x3a: {  	p0 =	sne.s32 s19, $0x9E00;
	v5 =	vadd.f32 v5, v12;
	v10 =	vmul.f32 $1.131370830e+01, v10;
	v12 =	vld [tilespmem:s21+$0xA070]  }
0x3b: {  	v4 =	vadd.f32 v4, v11;
	v9 =	vmul.f32 $1.131370830e+01, v9;
	v11 =	vld [tilespmem:s21+$0x2860]  }
0x3c: {  	s7 =	sshra.s32 s19, $0x2;
	[tilespmem:s21+$0xA000] =	vst v5;
	v3 =	vadd.f32 v3, v10;
	v8 =	vmul.f32 $1.131370830e+01, v8;
	v10 =	vld [tilespmem:s21+$0x2870]  }
0x3d: {  	v5 =	vld [tilespmem:s7+$0x2800];
	[tilespmem:s21+$0xA010] =	vst v4;
	v2 =	vadd.f32 v2, v9;
	v7 =	vmul.f32 $1.131370830e+01, v7  }
0x3e: {  	v4 =	vld [tilespmem:s7+$0x2810];
	[tilespmem:s21+$0xA020] =	vst v3;
	v1 =	vadd.f32 v1, v8;
	v6 =	vmul.f32 $1.131370830e+01, v6  }
0x3f: {  	v3 =	vld [tilespmem:s7+$0x2820];
	[tilespmem:s21+$0xA030] =	vst v2;
	v0 =	vadd.f32 v0, v7;
	v7 =	vmul.f32 $1.131370830e+01, v12  }
0x40: {  	v2 =	vld [tilespmem:s7+$0x2830];
	[tilespmem:s21+$0xA040] =	vst v1;
	v6 =	vadd.f32 v11, v6  }
0x41: {  	v1 =	vld [tilespmem:s7+$0x2840];
	[tilespmem:s21+$0xA050] =	vst v0;
	v7 =	vadd.f32 v10, v7  }
0x42: {  	v0 =	vld [tilespmem:s7+$0x2850];
	[tilespmem:s21+$0xA060] =	vst v6  }
0x43: {  	v6 =	vld [tilespmem:s7+$0xA000];
	[tilespmem:s21+$0xA070] =	vst v7;
	s21 =	smov.u32 s7  }
0x44: {  	v11 =	vld [tilespmem:s21+$0xA010]  }
.Ltmp2:
0x45: {  	v10 =	vld [tilespmem:s21+$0xA020];
	(pc) =	sbr.rel @p0 .LBB2_3-.Ltmp2, $4  }
0x46: {  	v9 =	vld [tilespmem:s21+$0xA030]  }
0x47: {  	v8 =	vld [tilespmem:s21+$0xA040]  }
0x48: {  	v12 =	vmul.f32 $1.131370830e+01, v6;
	v7 =	vld [tilespmem:s21+$0xA050]  }
0x49: {  	s19 =	sadd.s32 $0x200, s19;
	v11 =	vmul.f32 $1.131370830e+01, v11;
	v6 =	vld [tilespmem:s21+$0xA060]  }
0x4a: {  	v5 =	vadd.f32 v5, v12;
	v12 =	vld [tilespmem:s21+$0xA070];
	v10 =	vmul.f32 $1.131370830e+01, v10  }
0x4b: {  	v13 =	vld [tilespmem:s21+$0x2860];
	v4 =	vadd.f32 v4, v11;
	v9 =	vmul.f32 $1.131370830e+01, v9  }
0x4c: {  	[tilespmem:s21+$0xA000] =	vst v5;
	v3 =	vadd.f32 v3, v10;
	v5 =	vmul.f32 $1.131370830e+01, v8;
	v8 =	vld [tilespmem:s21+$0x2870]  }
0x4d: {  	[tilespmem:s21+$0xA010] =	vst v4;
	v2 =	vadd.f32 v2, v9;
	v4 =	vmul.f32 $1.131370830e+01, v7  }
0x4e: {  	[tilespmem:s21+$0xA020] =	vst v3;
	v1 =	vadd.f32 v1, v5;
	v3 =	vmul.f32 $1.131370830e+01, v6  }
0x4f: {  	s19 =	smul.u32 $0x190, s17;
	[tilespmem:s21+$0xA030] =	vst v2;
	v0 =	vadd.f32 v0, v4;
	v2 =	vmul.f32 $1.131370830e+01, v12  }
0x50: {  	[tilespmem:s21+$0xA040] =	vst v1;
	v1 =	vadd.f32 v13, v3  }
0x51: {  	s7 =	sadd.s32 s6, s19;
	[tilespmem:s21+$0xA050] =	vst v0;
	v0 =	vadd.f32 v8, v2  }
0x52: {  	s7 =	sshll.u32 s7, $0x4;
	[tilespmem:s21+$0xA060] =	vst v1  }
0x53: {  	s23 =	simm.s32 $0x0;
	s7 =	sadd.s32 s4, s7;
	[tilespmem:s21+$0xA070] =	vst v0  }
0x54: {  	[hbm4b:s7+s23] =	stream.linear.scatter [tilespmem:s16], [sflag:$0x6], $0x2800, $0x38;
	[tilespmem:$0x16800] =	vst v63  }
0x55: {  	_ =	swait.ge [sflag:s26], $0x2800  }
0x56: {  	[sflag:s26] =	ssyncset.done $0x0  }
0x57: {  	s21 =	simm.s32 $0x0;
	[sflag:s26] =	ssyncadd.s32 $0xFFFFD800  }
0x58: {  	v5 =	vld [tilespmem:s21+$0x5000]  }
0x59: {  	v4 =	vld [tilespmem:s21+$0x5010]  }
0x5a: {  	v3 =	vld [tilespmem:s21+$0x5020]  }
0x5b: {  	v2 =	vld [tilespmem:s21+$0x5030]  }
0x5c: {  	v1 =	vld [tilespmem:s21+$0x5040]  }
0x5d: {  	v0 =	vld [tilespmem:s21+$0x5050]  }
0x5e: {  	v6 =	vld [tilespmem:s21+$0xC800]  }
0x5f: {  	v11 =	vld [tilespmem:s21+$0xC810]  }
0x60: {  	v10 =	vld [tilespmem:s21+$0xC820]  }
0x61: {  	v9 =	vld [tilespmem:s21+$0xC830]  }
0x62: {  	v8 =	vld [tilespmem:s21+$0xC840]  }
0x63: {  	v7 =	vld [tilespmem:s21+$0xC850];
	v12 =	vmul.f32 $1.131370830e+01, v6  }
0x64: {  	s23 =	simm.s32 $0x200;
	v11 =	vmul.f32 $1.131370830e+01, v11;
	v6 =	vld [tilespmem:s21+$0xC860]  }
.LBB2_5:
0x65: {  	p0 =	sne.s32 s23, $0x9E00;
	v5 =	vadd.f32 v5, v12;
	v10 =	vmul.f32 $1.131370830e+01, v10;
	v12 =	vld [tilespmem:s21+$0xC870]  }
0x66: {  	v4 =	vadd.f32 v4, v11;
	v9 =	vmul.f32 $1.131370830e+01, v9;
	v11 =	vld [tilespmem:s21+$0x5060]  }
0x67: {  	s7 =	sshra.s32 s23, $0x2;
	[tilespmem:s21+$0xC800] =	vst v5;
	v3 =	vadd.f32 v3, v10;
	v8 =	vmul.f32 $1.131370830e+01, v8;
	v10 =	vld [tilespmem:s21+$0x5070]  }
0x68: {  	v5 =	vld [tilespmem:s7+$0x5000];
	[tilespmem:s21+$0xC810] =	vst v4;
	v2 =	vadd.f32 v2, v9;
	v7 =	vmul.f32 $1.131370830e+01, v7  }
0x69: {  	v4 =	vld [tilespmem:s7+$0x5010];
	[tilespmem:s21+$0xC820] =	vst v3;
	v1 =	vadd.f32 v1, v8;
	v6 =	vmul.f32 $1.131370830e+01, v6  }
0x6a: {  	v3 =	vld [tilespmem:s7+$0x5020];
	[tilespmem:s21+$0xC830] =	vst v2;
	v0 =	vadd.f32 v0, v7;
	v7 =	vmul.f32 $1.131370830e+01, v12  }
0x6b: {  	v2 =	vld [tilespmem:s7+$0x5030];
	[tilespmem:s21+$0xC840] =	vst v1;
	v6 =	vadd.f32 v11, v6  }
0x6c: {  	v1 =	vld [tilespmem:s7+$0x5040];
	[tilespmem:s21+$0xC850] =	vst v0;
	v7 =	vadd.f32 v10, v7  }
0x6d: {  	v0 =	vld [tilespmem:s7+$0x5050];
	[tilespmem:s21+$0xC860] =	vst v6  }
0x6e: {  	v6 =	vld [tilespmem:s7+$0xC800];
	[tilespmem:s21+$0xC870] =	vst v7;
	s21 =	smov.u32 s7  }
0x6f: {  	v11 =	vld [tilespmem:s21+$0xC810]  }
.Ltmp3:
0x70: {  	v10 =	vld [tilespmem:s21+$0xC820];
	(pc) =	sbr.rel @p0 .LBB2_5-.Ltmp3, $4  }
0x71: {  	v9 =	vld [tilespmem:s21+$0xC830]  }
0x72: {  	v8 =	vld [tilespmem:s21+$0xC840]  }
0x73: {  	v12 =	vmul.f32 $1.131370830e+01, v6;
	v7 =	vld [tilespmem:s21+$0xC850]  }
0x74: {  	s23 =	sadd.s32 $0x200, s23;
	v11 =	vmul.f32 $1.131370830e+01, v11;
	v6 =	vld [tilespmem:s21+$0xC860]  }
0x75: {  	v5 =	vadd.f32 v5, v12;
	v12 =	vld [tilespmem:s21+$0xC870];
	v10 =	vmul.f32 $1.131370830e+01, v10  }
0x76: {  	v13 =	vld [tilespmem:s21+$0x5060];
	v4 =	vadd.f32 v4, v11;
	v9 =	vmul.f32 $1.131370830e+01, v9  }
0x77: {  	[tilespmem:s21+$0xC800] =	vst v5;
	v3 =	vadd.f32 v3, v10;
	v5 =	vmul.f32 $1.131370830e+01, v8;
	v8 =	vld [tilespmem:s21+$0x5070]  }
0x78: {  	[tilespmem:s21+$0xC810] =	vst v4;
	v2 =	vadd.f32 v2, v9;
	v4 =	vmul.f32 $1.131370830e+01, v7  }
0x79: {  	[tilespmem:s21+$0xC820] =	vst v3;
	v1 =	vadd.f32 v1, v5;
	v3 =	vmul.f32 $1.131370830e+01, v6  }
0x7a: {  	[tilespmem:s21+$0xC830] =	vst v2;
	v0 =	vadd.f32 v0, v4;
	v2 =	vmul.f32 $1.131370830e+01, v12  }
0x7b: {  	[tilespmem:s21+$0xC840] =	vst v1;
	v1 =	vadd.f32 v13, v3  }
0x7c: {  	s7 =	sadd.s32 s19, s8;
	[tilespmem:s21+$0xC850] =	vst v0;
	v0 =	vadd.f32 v8, v2  }
0x7d: {  	s7 =	sshll.u32 s7, $0x4;
	[tilespmem:s21+$0xC860] =	vst v1  }
0x7e: {  	p0 =	seq.s32 s17, $0xF;
	s7 =	sadd.s32 s4, s7;
	[tilespmem:s21+$0xC870] =	vst v0  }
0x7f: {  	[hbm4b:s7+s5] =	stream.linear.scatter [tilespmem:s18], [sflag:$0x7], $0x2800, $0x38;
	[tilespmem:$0x16800] =	vst v63  }
0x80: {  	s7 =	smul.u32 @!p0 $0xA00, s17  }
0x81: {  	_ =	swait.ge [sflag:s25], $0x2800  }
0x82: {  	s23 =	simm.s32 @!p0 $0x50;
	[sflag:s25] =	ssyncset.done $0x0;
	s21 =	sshra.s32 @!p0 s7, $0x2  }
0x83: {  	s12 =	simm.s32 @!p0 $0xA000;
	[sflag:s25] =	ssyncadd.s32 $0xFFFFD800;
	s7 =	sadd.s32 @!p0 $0x280, s21  }
0x84: {  	[tilespmem:s12], [sflag:$0x1] =	stream.indirect.gather @!p0 [hbm4b:s3+s23], $0x80, s7, s23, $0xb8;
	[tilespmem:$0x16800] =	vst v63  }
0x85: {  	_ =	swait.ge [sflag:s28], $0x2800  }
0x86: {  	[sflag:s28] =	ssyncset.done $0x0  }
0x87: {  	s23 =	simm.s32 $0x0;
	[sflag:s28] =	ssyncadd.s32 $0xFFFFD800  }
0x88: {  	v5 =	vld [tilespmem:s23+$0x7800]  }
0x89: {  	v4 =	vld [tilespmem:s23+$0x7810]  }
0x8a: {  	v3 =	vld [tilespmem:s23+$0x7820]  }
0x8b: {  	v2 =	vld [tilespmem:s23+$0x7830]  }
0x8c: {  	v1 =	vld [tilespmem:s23+$0x7840]  }
0x8d: {  	v0 =	vld [tilespmem:s23+$0x7850]  }
0x8e: {  	v6 =	vld [tilespmem:s23+$0xF000]  }
0x8f: {  	v11 =	vld [tilespmem:s23+$0xF010]  }
0x90: {  	v10 =	vld [tilespmem:s23+$0xF020]  }
0x91: {  	v9 =	vld [tilespmem:s23+$0xF030]  }
0x92: {  	v8 =	vld [tilespmem:s23+$0xF040]  }
0x93: {  	v7 =	vld [tilespmem:s23+$0xF050];
	v12 =	vmul.f32 $1.131370830e+01, v6  }
0x94: {  	s7 =	simm.s32 $0x200;
	v11 =	vmul.f32 $1.131370830e+01, v11;
	v6 =	vld [tilespmem:s23+$0xF060]  }
.LBB2_7:
0x95: {  	p1 =	sne.s32 s7, $0x9E00;
	v5 =	vadd.f32 v5, v12;
	v10 =	vmul.f32 $1.131370830e+01, v10;
	v12 =	vld [tilespmem:s23+$0xF070]  }
0x96: {  	v4 =	vadd.f32 v4, v11;
	v9 =	vmul.f32 $1.131370830e+01, v9;
	v11 =	vld [tilespmem:s23+$0x7860]  }
0x97: {  	s12 =	sshra.s32 s7, $0x2;
	[tilespmem:s23+$0xF000] =	vst v5;
	v3 =	vadd.f32 v3, v10;
	v8 =	vmul.f32 $1.131370830e+01, v8;
	v10 =	vld [tilespmem:s23+$0x7870]  }
0x98: {  	v5 =	vld [tilespmem:s12+$0x7800];
	[tilespmem:s23+$0xF010] =	vst v4;
	v2 =	vadd.f32 v2, v9;
	v7 =	vmul.f32 $1.131370830e+01, v7  }
0x99: {  	v4 =	vld [tilespmem:s12+$0x7810];
	[tilespmem:s23+$0xF020] =	vst v3;
	v1 =	vadd.f32 v1, v8;
	v6 =	vmul.f32 $1.131370830e+01, v6  }
0x9a: {  	v3 =	vld [tilespmem:s12+$0x7820];
	[tilespmem:s23+$0xF030] =	vst v2;
	v0 =	vadd.f32 v0, v7;
	v7 =	vmul.f32 $1.131370830e+01, v12  }
0x9b: {  	v2 =	vld [tilespmem:s12+$0x7830];
	[tilespmem:s23+$0xF040] =	vst v1;
	v6 =	vadd.f32 v11, v6  }
0x9c: {  	v1 =	vld [tilespmem:s12+$0x7840];
	[tilespmem:s23+$0xF050] =	vst v0;
	v7 =	vadd.f32 v10, v7  }
0x9d: {  	v0 =	vld [tilespmem:s12+$0x7850];
	[tilespmem:s23+$0xF060] =	vst v6  }
0x9e: {  	v6 =	vld [tilespmem:s12+$0xF000];
	[tilespmem:s23+$0xF070] =	vst v7;
	s23 =	smov.u32 s12  }
0x9f: {  	v11 =	vld [tilespmem:s23+$0xF010]  }
.Ltmp4:
0xa0: {  	v10 =	vld [tilespmem:s23+$0xF020];
	(pc) =	sbr.rel @p1 .LBB2_7-.Ltmp4, $4  }
0xa1: {  	v9 =	vld [tilespmem:s23+$0xF030]  }
0xa2: {  	v8 =	vld [tilespmem:s23+$0xF040]  }
0xa3: {  	v12 =	vmul.f32 $1.131370830e+01, v6;
	v7 =	vld [tilespmem:s23+$0xF050]  }
0xa4: {  	s7 =	sadd.s32 $0x200, s7;
	v11 =	vmul.f32 $1.131370830e+01, v11;
	v6 =	vld [tilespmem:s23+$0xF060]  }
0xa5: {  	v5 =	vadd.f32 v5, v12;
	v12 =	vld [tilespmem:s23+$0xF070];
	v10 =	vmul.f32 $1.131370830e+01, v10  }
0xa6: {  	v13 =	vld [tilespmem:s23+$0x7860];
	v4 =	vadd.f32 v4, v11;
	v9 =	vmul.f32 $1.131370830e+01, v9  }
0xa7: {  	[tilespmem:s23+$0xF000] =	vst v5;
	v3 =	vadd.f32 v3, v10;
	v5 =	vmul.f32 $1.131370830e+01, v8;
	v8 =	vld [tilespmem:s23+$0x7870]  }
0xa8: {  	[tilespmem:s23+$0xF010] =	vst v4;
	v2 =	vadd.f32 v2, v9;
	v4 =	vmul.f32 $1.131370830e+01, v7  }
0xa9: {  	[tilespmem:s23+$0xF020] =	vst v3;
	v1 =	vadd.f32 v1, v5;
	v3 =	vmul.f32 $1.131370830e+01, v6  }
0xaa: {  	[tilespmem:s23+$0xF030] =	vst v2;
	v0 =	vadd.f32 v0, v4;
	v2 =	vmul.f32 $1.131370830e+01, v12  }
0xab: {  	[tilespmem:s23+$0xF040] =	vst v1;
	v1 =	vadd.f32 v13, v3  }
0xac: {  	s7 =	sadd.s32 s19, s9;
	[tilespmem:s23+$0xF050] =	vst v0;
	v0 =	vadd.f32 v8, v2  }
0xad: {  	s7 =	sshll.u32 s7, $0x4;
	[tilespmem:s23+$0xF060] =	vst v1  }
0xae: {  	s7 =	sadd.s32 s4, s7;
	[tilespmem:s23+$0xF070] =	vst v0  }
0xaf: {  	[hbm4b:s7+s5] =	stream.linear.scatter [tilespmem:s20], [sflag:$0x8], $0x2800, $0x38;
	[tilespmem:$0x16800] =	vst v63  }
0xb0: {  	_ =	swait.ge [sflag:s29], $0x2800  }
0xb1: {  	s12 =	simm.s32 @!p0 $0x50;
	[sflag:s29] =	ssyncset.done $0x0  }
0xb2: {  	s23 =	simm.s32 @!p0 $0xC800;
	s7 =	sadd.s32 @!p0 $0x300, s21;
	[sflag:s29] =	ssyncadd.s32 $0xFFFFD800  }
0xb3: {  	[tilespmem:s23], [sflag:$0x2] =	stream.indirect.gather @!p0 [hbm4b:s3+s12], $0x80, s7, s12, $0xb8;
	[tilespmem:$0x16800] =	vst v63  }
0xb4: {  	_ =	swait.ge [sflag:s30], $0x2800  }
0xb5: {  	[sflag:s30] =	ssyncset.done $0x0  }
0xb6: {  	s23 =	simm.s32 $0x0;
	[sflag:s30] =	ssyncadd.s32 $0xFFFFD800  }
0xb7: {  	v5 =	vld [tilespmem:s23+$0x3C00]  }
0xb8: {  	v4 =	vld [tilespmem:s23+$0x3C10]  }
0xb9: {  	v3 =	vld [tilespmem:s23+$0x3C20]  }
0xba: {  	v2 =	vld [tilespmem:s23+$0x3C30]  }
0xbb: {  	v1 =	vld [tilespmem:s23+$0x3C40]  }
0xbc: {  	v0 =	vld [tilespmem:s23+$0x3C50]  }
0xbd: {  	v6 =	vld [tilespmem:s23+$0x11800]  }
0xbe: {  	v11 =	vld [tilespmem:s23+$0x11810]  }
0xbf: {  	v10 =	vld [tilespmem:s23+$0x11820]  }
0xc0: {  	v9 =	vld [tilespmem:s23+$0x11830]  }
0xc1: {  	v8 =	vld [tilespmem:s23+$0x11840]  }
0xc2: {  	v7 =	vld [tilespmem:s23+$0x11850];
	v12 =	vmul.f32 $1.131370830e+01, v6  }
0xc3: {  	s7 =	simm.s32 $0x200;
	v11 =	vmul.f32 $1.131370830e+01, v11;
	v6 =	vld [tilespmem:s23+$0x11860]  }
.LBB2_9:
0xc4: {  	p1 =	sne.s32 s7, $0x9E00;
	v5 =	vadd.f32 v5, v12;
	v10 =	vmul.f32 $1.131370830e+01, v10;
	v12 =	vld [tilespmem:s23+$0x11870]  }
0xc5: {  	v4 =	vadd.f32 v4, v11;
	v9 =	vmul.f32 $1.131370830e+01, v9;
	v11 =	vld [tilespmem:s23+$0x3C60]  }
0xc6: {  	s12 =	sshra.s32 s7, $0x2;
	[tilespmem:s23+$0x11800] =	vst v5;
	v3 =	vadd.f32 v3, v10;
	v8 =	vmul.f32 $1.131370830e+01, v8;
	v10 =	vld [tilespmem:s23+$0x3C70]  }
0xc7: {  	v5 =	vld [tilespmem:s12+$0x3C00];
	[tilespmem:s23+$0x11810] =	vst v4;
	v2 =	vadd.f32 v2, v9;
	v7 =	vmul.f32 $1.131370830e+01, v7  }
0xc8: {  	v4 =	vld [tilespmem:s12+$0x3C10];
	[tilespmem:s23+$0x11820] =	vst v3;
	v1 =	vadd.f32 v1, v8;
	v6 =	vmul.f32 $1.131370830e+01, v6  }
0xc9: {  	v3 =	vld [tilespmem:s12+$0x3C20];
	[tilespmem:s23+$0x11830] =	vst v2;
	v0 =	vadd.f32 v0, v7;
	v7 =	vmul.f32 $1.131370830e+01, v12  }
0xca: {  	v2 =	vld [tilespmem:s12+$0x3C30];
	[tilespmem:s23+$0x11840] =	vst v1;
	v6 =	vadd.f32 v11, v6  }
0xcb: {  	v1 =	vld [tilespmem:s12+$0x3C40];
	[tilespmem:s23+$0x11850] =	vst v0;
	v7 =	vadd.f32 v10, v7  }
0xcc: {  	v0 =	vld [tilespmem:s12+$0x3C50];
	[tilespmem:s23+$0x11860] =	vst v6  }
0xcd: {  	v6 =	vld [tilespmem:s12+$0x11800];
	[tilespmem:s23+$0x11870] =	vst v7;
	s23 =	smov.u32 s12  }
0xce: {  	v11 =	vld [tilespmem:s23+$0x11810]  }
.Ltmp5:
0xcf: {  	v10 =	vld [tilespmem:s23+$0x11820];
	(pc) =	sbr.rel @p1 .LBB2_9-.Ltmp5, $4  }
0xd0: {  	v9 =	vld [tilespmem:s23+$0x11830]  }
0xd1: {  	v8 =	vld [tilespmem:s23+$0x11840]  }
0xd2: {  	v12 =	vmul.f32 $1.131370830e+01, v6;
	v7 =	vld [tilespmem:s23+$0x11850]  }
0xd3: {  	s7 =	sadd.s32 $0x200, s7;
	v11 =	vmul.f32 $1.131370830e+01, v11;
	v6 =	vld [tilespmem:s23+$0x11860]  }
0xd4: {  	v5 =	vadd.f32 v5, v12;
	v12 =	vld [tilespmem:s23+$0x11870];
	v10 =	vmul.f32 $1.131370830e+01, v10  }
0xd5: {  	v13 =	vld [tilespmem:s23+$0x3C60];
	v4 =	vadd.f32 v4, v11;
	v9 =	vmul.f32 $1.131370830e+01, v9  }
0xd6: {  	[tilespmem:s23+$0x11800] =	vst v5;
	v3 =	vadd.f32 v3, v10;
	v5 =	vmul.f32 $1.131370830e+01, v8;
	v8 =	vld [tilespmem:s23+$0x3C70]  }
0xd7: {  	[tilespmem:s23+$0x11810] =	vst v4;
	v2 =	vadd.f32 v2, v9;
	v4 =	vmul.f32 $1.131370830e+01, v7  }
0xd8: {  	[tilespmem:s23+$0x11820] =	vst v3;
	v1 =	vadd.f32 v1, v5;
	v3 =	vmul.f32 $1.131370830e+01, v6  }
0xd9: {  	[tilespmem:s23+$0x11830] =	vst v2;
	v0 =	vadd.f32 v0, v4;
	v2 =	vmul.f32 $1.131370830e+01, v12  }
0xda: {  	[tilespmem:s23+$0x11840] =	vst v1;
	v1 =	vadd.f32 v13, v3  }
0xdb: {  	s7 =	sadd.s32 s19, s10;
	[tilespmem:s23+$0x11850] =	vst v0;
	v0 =	vadd.f32 v8, v2  }
0xdc: {  	s7 =	sshll.u32 s7, $0x4;
	[tilespmem:s23+$0x11860] =	vst v1  }
0xdd: {  	s7 =	sadd.s32 s4, s7;
	[tilespmem:s23+$0x11870] =	vst v0  }
0xde: {  	[hbm4b:s7+s5] =	stream.linear.scatter [tilespmem:s22], [sflag:$0x9], $0x2800, $0x38;
	[tilespmem:$0x16800] =	vst v63  }
0xdf: {  	_ =	swait.ge [sflag:s31], $0x2800  }
0xe0: {  	s12 =	simm.s32 @!p0 $0x50;
	[sflag:s31] =	ssyncset.done $0x0  }
0xe1: {  	s7 =	sadd.s32 @!p0 $0x380, s21;
	s21 =	simm.s32 @!p0 $0xF000;
	[sflag:s31] =	ssyncadd.s32 $0xFFFFD800  }
0xe2: {  	[tilespmem:s21], [sflag:$0x3] =	stream.indirect.gather @!p0 [hbm4b:s3+s12], $0x80, s7, s12, $0xb8;
	[tilespmem:$0x16800] =	vst v63  }
0xe3: {  	_ =	swait.ge [sflag:s2], $0x2800  }
0xe4: {  	[sflag:s2] =	ssyncset.done $0x0  }
0xe5: {  	s21 =	simm.s32 $0x0;
	[sflag:s2] =	ssyncadd.s32 $0xFFFFD800  }
0xe6: {  	v5 =	vld [tilespmem:s21+$0x6400]  }
0xe7: {  	v4 =	vld [tilespmem:s21+$0x6410]  }
0xe8: {  	v3 =	vld [tilespmem:s21+$0x6420]  }
0xe9: {  	v2 =	vld [tilespmem:s21+$0x6430]  }
0xea: {  	v1 =	vld [tilespmem:s21+$0x6440]  }
0xeb: {  	v0 =	vld [tilespmem:s21+$0x6450]  }
0xec: {  	v6 =	vld [tilespmem:s21+$0x14000]  }
0xed: {  	v11 =	vld [tilespmem:s21+$0x14010]  }
0xee: {  	v10 =	vld [tilespmem:s21+$0x14020]  }
0xef: {  	v9 =	vld [tilespmem:s21+$0x14030]  }
0xf0: {  	v8 =	vld [tilespmem:s21+$0x14040]  }
0xf1: {  	v7 =	vld [tilespmem:s21+$0x14050];
	v12 =	vmul.f32 $1.131370830e+01, v6  }
0xf2: {  	s7 =	simm.s32 $0x200;
	v11 =	vmul.f32 $1.131370830e+01, v11;
	v6 =	vld [tilespmem:s21+$0x14060]  }
.LBB2_11:
0xf3: {  	p1 =	sne.s32 s7, $0x9E00;
	v5 =	vadd.f32 v5, v12;
	v10 =	vmul.f32 $1.131370830e+01, v10;
	v12 =	vld [tilespmem:s21+$0x14070]  }
0xf4: {  	v4 =	vadd.f32 v4, v11;
	v9 =	vmul.f32 $1.131370830e+01, v9;
	v11 =	vld [tilespmem:s21+$0x6460]  }
0xf5: {  	s12 =	sshra.s32 s7, $0x2;
	[tilespmem:s21+$0x14000] =	vst v5;
	v3 =	vadd.f32 v3, v10;
	v8 =	vmul.f32 $1.131370830e+01, v8;
	v10 =	vld [tilespmem:s21+$0x6470]  }
0xf6: {  	v5 =	vld [tilespmem:s12+$0x6400];
	[tilespmem:s21+$0x14010] =	vst v4;
	v2 =	vadd.f32 v2, v9;
	v7 =	vmul.f32 $1.131370830e+01, v7  }
0xf7: {  	v4 =	vld [tilespmem:s12+$0x6410];
	[tilespmem:s21+$0x14020] =	vst v3;
	v1 =	vadd.f32 v1, v8;
	v6 =	vmul.f32 $1.131370830e+01, v6  }
0xf8: {  	v3 =	vld [tilespmem:s12+$0x6420];
	[tilespmem:s21+$0x14030] =	vst v2;
	v0 =	vadd.f32 v0, v7;
	v7 =	vmul.f32 $1.131370830e+01, v12  }
0xf9: {  	v2 =	vld [tilespmem:s12+$0x6430];
	[tilespmem:s21+$0x14040] =	vst v1;
	v6 =	vadd.f32 v11, v6  }
0xfa: {  	v1 =	vld [tilespmem:s12+$0x6440];
	[tilespmem:s21+$0x14050] =	vst v0;
	v7 =	vadd.f32 v10, v7  }
0xfb: {  	v0 =	vld [tilespmem:s12+$0x6450];
	[tilespmem:s21+$0x14060] =	vst v6  }
0xfc: {  	v6 =	vld [tilespmem:s12+$0x14000];
	[tilespmem:s21+$0x14070] =	vst v7;
	s21 =	smov.u32 s12  }
0xfd: {  	v11 =	vld [tilespmem:s21+$0x14010]  }
.Ltmp6:
0xfe: {  	v10 =	vld [tilespmem:s21+$0x14020];
	(pc) =	sbr.rel @p1 .LBB2_11-.Ltmp6, $4  }
0xff: {  	v9 =	vld [tilespmem:s21+$0x14030]  }
0x100: {  	v8 =	vld [tilespmem:s21+$0x14040]  }
0x101: {  	v12 =	vmul.f32 $1.131370830e+01, v6;
	v7 =	vld [tilespmem:s21+$0x14050]  }
0x102: {  	s7 =	sadd.s32 $0x200, s7;
	v11 =	vmul.f32 $1.131370830e+01, v11;
	v6 =	vld [tilespmem:s21+$0x14060]  }
0x103: {  	v5 =	vadd.f32 v5, v12;
	v56 =	vld [tilespmem:s21+$0x14070];
	v10 =	vmul.f32 $1.131370830e+01, v10  }
0x104: {  	v13 =	vld [tilespmem:s21+$0x6460];
	v4 =	vadd.f32 v4, v11;
	v9 =	vmul.f32 $1.131370830e+01, v9  }
0x105: {  	v58 =	vld [tilespmem:s21+$0x6470];
	[tilespmem:s21+$0x14000] =	vst v5;
	v3 =	vadd.f32 v3, v10;
	v57 =	vmul.f32 $1.131370830e+01, v8  }
0x106: {  	[tilespmem:s21+$0x14010] =	vst v4;
	v2 =	vadd.f32 v2, v9;
	v59 =	vmul.f32 $1.131370830e+01, v7  }
0x107: {  	[tilespmem:s21+$0x14020] =	vst v3;
	v1 =	vadd.f32 v1, v57;
	v60 =	vmul.f32 $1.131370830e+01, v6  }
0x108: {  	[tilespmem:s21+$0x14030] =	vst v2;
	v0 =	vadd.f32 v0, v59;
	v61 =	vmul.f32 $1.131370830e+01, v56  }
0x109: {  	[tilespmem:s21+$0x14040] =	vst v1;
	v62 =	vadd.f32 v13, v60  }
0x10a: {  	s7 =	sadd.s32 s19, s11;
	[tilespmem:s21+$0x14050] =	vst v0;
	v63 =	vadd.f32 v58, v61  }
0x10b: {  	s7 =	sshll.u32 s7, $0x4;
	[tilespmem:s21+$0x14060] =	vst v62  }
.Ltmp7:
0x10c: {  	s7 =	sadd.s32 s4, s7;
	[tilespmem:s21+$0x14070] =	vst v63;
	(pc) =	sbr.rel @p0 .LBB2_14-.Ltmp7, $4  }
0x10d: {  	[hbm4b:s7+s5] =	stream.linear.scatter [tilespmem:s24], [sflag:$0xA], $0x2800, $0x38;
	[tilespmem:$0x16800] =	vst v63  }
0x10e: {  	_ =	swait.ge [sflag:s0], $0x2800  }
0x10f: {  	[sflag:s0] =	ssyncset.done $0x0  }
0x110: {  	[sflag:s0] =	ssyncadd.s32 $0xFFFFD800  }
0x111: {  	s7 =	smul.u32 $0xA00, s17;
	_ =	sdelay $0x1  }
0x112: {  	s7 =	sshra.s32 s7, $0x2  }
0x113: {  	s12 =	sadd.s32 $0x400, s7  }
0x114: {  	[tilespmem:s22], [sflag:$0x4] =	stream.indirect.gather [hbm4b:s3+s15], $0x80, s12, s15, $0xb8;
	[tilespmem:$0x16800] =	vst v63  }
.Ltmp8:
0x115: {  	_ = 	snop;
	(pc) =	sbr.rel .LBB2_2-.Ltmp8, $4  }
0x116: {  	_ =	swait.ge [sflag:s1], $0x2800  }
0x117: {  	[sflag:s1] =	ssyncset.done $0x0  }
0x118: {  	s17 =	sadd.s32 $0x1, s17;
	s7 =	sadd.s32 $0x480, s7;
	[sflag:s1] =	ssyncadd.s32 $0xFFFFD800  }
0x119: {  	[tilespmem:s24], [sflag:$0x5] =	stream.indirect.gather [hbm4b:s3+s15], $0x80, s7, s15, $0xb8;
	[tilespmem:$0x16800] =	vst v63  }
.LBB2_15:
0x11a: {  	_ =	sfence.sel $0x180000  }
0x11b: {  	[bflag:$0x0] =	sbarrier.arrive $0xFFFF  }
0x11c: {  	_ =	strace $0x90000047  }
0x11d: {  	s0 =	stileid.u32;
	[bflag:$0x2] =	sbarrier.arrive $0xFFFF  }
0x11e: {  	p0 =	sne.s32 s0, $0x0;
	s0 =	rddreg [dreg:$0x3]  }
0x11f: {  	s0 =	sadd.s32 @!p0 $0x100000, s0  }
0x120: {  	[sflag:s0] =	ssyncadd.tile.s32 @!p0 $0x1;
	_ =	shalt  }
.Lfunc_end2:
_tile_overlayer_lowered:
.L_overlay_start_2:
0x121: {  	(tag) =	ssettag $0x2  }
0x122: {  	s0 =	rddreg [dreg:$0x0];
	s2 =	stileid.u32  }
0x123: {  	s1 =	rddreg [dreg:$0x1];
	p0 =	sne.s32 s2, $0x0  }
0x124: {  	s3 =	rddreg [dreg:$0x2];
	[bflag:$0x3] =	sbarrier.arrive $0xFFFF;
	s2 =	simm.s32 @!p0 $0x1C0B  }
0x125: {  	[timem:s3], [sflag:s2] =	dma.local @!p0 [hbm:s0], s1  }
0x126: {  	s0 =	simm.s32 @!p0 $0xB  }
0x127: {  	_ =	swait.ge @!p0 [sflag:s0], s1  }
0x128: {  	s1 =	ssub.s32 @!p0 $0x0, s1;
	[sflag:s0] =	ssyncset.done @!p0 $0x0  }
0x129: {  	[sflag:s0] =	ssyncadd.s32 @!p0 s1  }
0x12a: {  	[bflag:$0x3] =	sbarrier.arrive $0xFFFF  }
0x12b: {  	_ =	shalt  }

</sc_bundles>
